<compile_context>
chip_gen: v7x
topology: tpu7x:2x2x1
jax: 0.10.2.dev20260603
libtpu: 0.0.44.dev20260713+nightly
codegen_flags: <defaults>
</compile_context>

<pallas_src>
import functools

import jax
from jax import lax
from jax.experimental import pallas as pl
from jax.experimental.pallas import tpu as pltpu
from jax.experimental.pallas import tpu_sc as plsc

_SIZES = (56, 56, 56, 56, 32)
_OFFS = (0, 56, 112, 168, 224)
_NBUF = 2
_BUF_ROWS = max(_SIZES)


def _sc_body(B, S, D, rows_per_w, table_hbm, out_hbm, bufs, in_sems, out_sems):
    wid = lax.axis_index("s") * 2 + lax.axis_index("c")
    slab = lax.rem(wid, 8)
    quarter = lax.div(wid, 8)
    src_base = slab * 1024 + quarter * rows_per_w
    n_iter = len(_SIZES)

    def in_copy(i):
        k = i % _NBUF
        return pltpu.make_async_copy(
            table_hbm.at[pl.ds(src_base + _OFFS[i], _SIZES[i]), :],
            bufs.at[k, pl.ds(0, _SIZES[i]), :],
            in_sems.at[k],
        )

    def out_copy(i, b):
        k = i % _NBUF
        return pltpu.make_async_copy(
            bufs.at[k, pl.ds(0, _SIZES[i]), :],
            out_hbm.at[pl.ds(b * S + src_base + _OFFS[i], _SIZES[i]), :],
            out_sems.at[k],
        )

    in_copy(0).start()
    for i in range(n_iter):
        if i + 1 < n_iter:
            if i + 1 >= _NBUF:
                for b in range(B):
                    out_copy(i + 1 - _NBUF, b).wait()
            in_copy(i + 1).start()
        in_copy(i).wait()
        for b in range(B):
            out_copy(i, b).start()
    for i in range(max(0, n_iter - _NBUF), n_iter):
        for b in range(B):
            out_copy(i, b).wait()


def kernel(x, pos_embeddings):
    B, S = x.shape
    D = pos_embeddings.shape[1]
    rows_per_w = S // 8 // 4
    mesh = plsc.VectorSubcoreMesh(core_axis_name="c", subcore_axis_name="s")
    k = pl.kernel(
        functools.partial(_sc_body, B, S, D, rows_per_w),
        out_type=jax.ShapeDtypeStruct((B * S, D), pos_embeddings.dtype),
        mesh=mesh,
        scratch_types=[
            pltpu.VMEM((_NBUF, _BUF_ROWS, D), pos_embeddings.dtype),
            pltpu.SemaphoreType.DMA((_NBUF,)),
            pltpu.SemaphoreType.DMA((_NBUF,)),
        ],
    )
    out_flat = k(pos_embeddings)
    return out_flat.reshape(B, S, D)

# --- scband reference (transcript-rebuilt; emitter-appended) ---
"""Pipeline reference for scband-position-embedding-61710090108965 (READ-ONLY COPY).

The authoritative reference and input builder live on the scoring server;
editing this copy changes nothing except your own understanding.
"""

import jax, jax.numpy as jnp
import numpy as np

MAX_SEQ_LEN = 8192
D_MODEL = 1024

def setup_inputs(seed: int = 0) -> dict:
    key = jax.random.key(seed)
    k_x, k_tab = jax.random.split(key)
    x = jax.random.randint(k_x, (4, 8192), 0, 8192, dtype=jnp.int32)
    pos_embeddings = jax.random.normal(k_tab, (MAX_SEQ_LEN, D_MODEL), dtype=jnp.float32)
    return {"x": x, "pos_embeddings": pos_embeddings}

def reference(x, pos_embeddings):
    # position_ids = arange(seq_len) broadcast to x's shape, then embedding gather
    seq_length = x.shape[1]
    position_ids = jnp.arange(seq_length, dtype=jnp.int32)
    position_ids = jnp.broadcast_to(position_ids[None, :], x.shape)
    return jnp.take(pos_embeddings, position_ids, axis=0)

if __name__ == "__main__":
    import jax
    _d = setup_inputs()
    print(jax.jit(kernel)(*tuple(_d.values())))

</pallas_src>

<mosaic_0001>
#map = affine_map<(d0, d1) -> (0, 0)>
module attributes {stable_mosaic.version = 14 : i64} {
  func.func @_sc_body(%arg0: i32, %arg1: i32, %arg2: memref<8192x1024xf32, #tpu.memory_space<hbm>>, %arg3: memref<32768x1024xf32, #tpu.memory_space<hbm>>, %arg4: memref<2x56x1024xf32, #tpu.memory_space<vmem>>, %arg5: memref<2x!tpu.dma_semaphore, #tpu.memory_space<semaphore_mem>>, %arg6: memref<2x!tpu.dma_semaphore, #tpu.memory_space<semaphore_mem>>) attributes {dimension_semantics = [#tpu.dimension_semantics<core_parallel>, #tpu.dimension_semantics<subcore_parallel>], iteration_bounds = array<i64: 2, 16>, scalar_prefetch = 0 : i64, scratch_operands = 3 : i64, tpu.core_type = #tpu.core_type<sc_vector_subcore>, window_params = [{transform_indices = #map}, {transform_indices = #map}]} {
    %mul3A = arith.constant 2 : i32
    %mul3A_0 = arith.muli %arg1, %mul3A : i32
    %add3A = arith.addi %mul3A_0, %arg0 : i32
    %rem3A = arith.constant 8 : i32
    %rem3A_1 = arith.remsi %add3A, %rem3A : i32
    %div3A = arith.constant 8 : i32
    %div3A_2 = arith.divsi %add3A, %div3A : i32
    %mul3A_3 = arith.constant 1024 : i32
    %mul3A_4 = arith.muli %rem3A_1, %mul3A_3 : i32
    %mul3A_5 = arith.constant 256 : i32
    %mul3A_6 = arith.muli %div3A_2, %mul3A_5 : i32
    %add3A_7 = arith.addi %mul3A_4, %mul3A_6 : i32
    %add3A_8 = arith.constant 0 : i32
    %add3A_9 = arith.addi %add3A_7, %add3A_8 : i32
    %dma_start3A = arith.constant 0 : i32
    %dma_start3A_10 = arith.constant 0 : i32
    %dma_start3A_11 = arith.constant 0 : i32
    %dma_start3A_12 = arith.constant 0 : i32
    %dma_start3A_13 = tpu.memref_slice %arg4[%dma_start3A, %dma_start3A_11, %dma_start3A_12] : memref<2x56x1024xf32, #tpu.memory_space<vmem>> -> memref<1x56x1024xf32, #tpu.memory_space<vmem>>
    %dma_start3A_14 = tpu.memref_squeeze %dma_start3A_13 : memref<1x56x1024xf32, #tpu.memory_space<vmem>> -> memref<56x1024xf32, #tpu.memory_space<vmem>>
    %dma_start3A_15 = arith.constant 0 : i32
    %dma_start3A_16 = tpu.memref_slice %arg2[%add3A_9, %dma_start3A_15] : memref<8192x1024xf32, #tpu.memory_space<hbm>> -> memref<56x1024xf32, #tpu.memory_space<hbm>>
    %dma_start3A_17 = tpu.memref_slice %arg5[%dma_start3A_10] : memref<2x!tpu.dma_semaphore, #tpu.memory_space<semaphore_mem>> -> memref<1x!tpu.dma_semaphore, #tpu.memory_space<semaphore_mem>>
    %dma_start3A_18 = tpu.memref_squeeze %dma_start3A_17 : memref<1x!tpu.dma_semaphore, #tpu.memory_space<semaphore_mem>> -> memref<!tpu.dma_semaphore, #tpu.memory_space<semaphore_mem>>
    %dma_start3A_19 = arith.constant 0 : i32
    %dma_start3A_20 = arith.constant 0 : i32
    %dma_start3A_21 = tpu.memref_slice %arg4[%dma_start3A, %dma_start3A_19, %dma_start3A_20] : memref<2x56x1024xf32, #tpu.memory_space<vmem>> -> memref<1x56x1024xf32, #tpu.memory_space<vmem>>
    %dma_start3A_22 = tpu.memref_squeeze %dma_start3A_21 : memref<1x56x1024xf32, #tpu.memory_space<vmem>> -> memref<56x1024xf32, #tpu.memory_space<vmem>>
    %dma_start3A_23 = arith.constant 0 : i32
    %dma_start3A_24 = tpu.memref_slice %arg2[%add3A_9, %dma_start3A_23] : memref<8192x1024xf32, #tpu.memory_space<hbm>> -> memref<56x1024xf32, #tpu.memory_space<hbm>>
    tpu.enqueue_dma source(%dma_start3A_24 : memref<56x1024xf32, #tpu.memory_space<hbm>>) target(%dma_start3A_22 : memref<56x1024xf32, #tpu.memory_space<vmem>>) target_semaphore(%dma_start3A_18 : memref<!tpu.dma_semaphore, #tpu.memory_space<semaphore_mem>>)
    %add3A_25 = arith.constant 56 : i32
    %add3A_26 = arith.addi %add3A_7, %add3A_25 : i32
    %dma_start3A_27 = arith.constant 1 : i32
    %dma_start3A_28 = arith.constant 1 : i32
    %dma_start3A_29 = arith.constant 0 : i32
    %dma_start3A_30 = arith.constant 0 : i32
    %dma_start3A_31 = tpu.memref_slice %arg4[%dma_start3A_27, %dma_start3A_29, %dma_start3A_30] : memref<2x56x1024xf32, #tpu.memory_space<vmem>> -> memref<1x56x1024xf32, #tpu.memory_space<vmem>>
    %dma_start3A_32 = tpu.memref_squeeze %dma_start3A_31 : memref<1x56x1024xf32, #tpu.memory_space<vmem>> -> memref<56x1024xf32, #tpu.memory_space<vmem>>
    %dma_start3A_33 = arith.constant 0 : i32
    %dma_start3A_34 = tpu.memref_slice %arg2[%add3A_26, %dma_start3A_33] : memref<8192x1024xf32, #tpu.memory_space<hbm>> -> memref<56x1024xf32, #tpu.memory_space<hbm>>
    %dma_start3A_35 = tpu.memref_slice %arg5[%dma_start3A_28] : memref<2x!tpu.dma_semaphore, #tpu.memory_space<semaphore_mem>> -> memref<1x!tpu.dma_semaphore, #tpu.memory_space<semaphore_mem>>
    %dma_start3A_36 = tpu.memref_squeeze %dma_start3A_35 : memref<1x!tpu.dma_semaphore, #tpu.memory_space<semaphore_mem>> -> memref<!tpu.dma_semaphore, #tpu.memory_space<semaphore_mem>>
    %dma_start3A_37 = arith.constant 0 : i32
    %dma_start3A_38 = arith.constant 0 : i32
    %dma_start3A_39 = tpu.memref_slice %arg4[%dma_start3A_27, %dma_start3A_37, %dma_start3A_38] : memref<2x56x1024xf32, #tpu.memory_space<vmem>> -> memref<1x56x1024xf32, #tpu.memory_space<vmem>>
    %dma_start3A_40 = tpu.memref_squeeze %dma_start3A_39 : memref<1x56x1024xf32, #tpu.memory_space<vmem>> -> memref<56x1024xf32, #tpu.memory_space<vmem>>
    %dma_start3A_41 = arith.constant 0 : i32
    %dma_start3A_42 = tpu.memref_slice %arg2[%add3A_26, %dma_start3A_41] : memref<8192x1024xf32, #tpu.memory_space<hbm>> -> memref<56x1024xf32, #tpu.memory_space<hbm>>
    tpu.enqueue_dma source(%dma_start3A_42 : memref<56x1024xf32, #tpu.memory_space<hbm>>) target(%dma_start3A_40 : memref<56x1024xf32, #tpu.memory_space<vmem>>) target_semaphore(%dma_start3A_36 : memref<!tpu.dma_semaphore, #tpu.memory_space<semaphore_mem>>)
    %add3A_43 = arith.constant 0 : i32
    %add3A_44 = arith.addi %add3A_7, %add3A_43 : i32
    %dma_wait3A = arith.constant 0 : i32
    %dma_wait3A_45 = arith.constant 0 : i32
    %dma_wait3A_46 = arith.constant 0 : i32
    %dma_wait3A_47 = arith.constant 0 : i32
    %dma_wait3A_48 = tpu.memref_slice %arg4[%dma_wait3A, %dma_wait3A_46, %dma_wait3A_47] : memref<2x56x1024xf32, #tpu.memory_space<vmem>> -> memref<1x56x1024xf32, #tpu.memory_space<vmem>>
    %dma_wait3A_49 = tpu.memref_squeeze %dma_wait3A_48 : memref<1x56x1024xf32, #tpu.memory_space<vmem>> -> memref<56x1024xf32, #tpu.memory_space<vmem>>
    %dma_wait3A_50 = arith.constant 0 : i32
    %dma_wait3A_51 = tpu.memref_slice %arg2[%add3A_44, %dma_wait3A_50] : memref<8192x1024xf32, #tpu.memory_space<hbm>> -> memref<56x1024xf32, #tpu.memory_space<hbm>>
    %dma_wait3A_52 = tpu.memref_slice %arg5[%dma_wait3A_45] : memref<2x!tpu.dma_semaphore, #tpu.memory_space<semaphore_mem>> -> memref<1x!tpu.dma_semaphore, #tpu.memory_space<semaphore_mem>>
    %dma_wait3A_53 = tpu.memref_squeeze %dma_wait3A_52 : memref<1x!tpu.dma_semaphore, #tpu.memory_space<semaphore_mem>> -> memref<!tpu.dma_semaphore, #tpu.memory_space<semaphore_mem>>
    %dma_wait3A_54 = arith.constant 0 : i32
    %dma_wait3A_55 = arith.constant 0 : i32
    %dma_wait3A_56 = tpu.memref_slice %arg4[%dma_wait3A, %dma_wait3A_54, %dma_wait3A_55] : memref<2x56x1024xf32, #tpu.memory_space<vmem>> -> memref<1x56x1024xf32, #tpu.memory_space<vmem>>
    %dma_wait3A_57 = tpu.memref_squeeze %dma_wait3A_56 : memref<1x56x1024xf32, #tpu.memory_space<vmem>> -> memref<56x1024xf32, #tpu.memory_space<vmem>>
    %dma_wait3A_58 = arith.constant 0 : i32
    %dma_wait3A_59 = tpu.memref_slice %arg2[%add3A_44, %dma_wait3A_58] : memref<8192x1024xf32, #tpu.memory_space<hbm>> -> memref<56x1024xf32, #tpu.memory_space<hbm>>
    tpu.wait_dma2 semaphore(%dma_wait3A_53 : memref<!tpu.dma_semaphore, #tpu.memory_space<semaphore_mem>>) src(%dma_wait3A_59 : memref<56x1024xf32, #tpu.memory_space<hbm>>) dst(%dma_wait3A_57 : memref<56x1024xf32, #tpu.memory_space<vmem>>)
    %add3A_60 = arith.constant 0 : i32
    %add3A_61 = arith.addi %add3A_60, %add3A_7 : i32
    %add3A_62 = arith.constant 0 : i32
    %add3A_63 = arith.addi %add3A_61, %add3A_62 : i32
    %dma_start3A_64 = arith.constant 0 : i32
    %dma_start3A_65 = arith.constant 0 : i32
    %dma_start3A_66 = arith.constant 0 : i32
    %dma_start3A_67 = arith.constant 0 : i32
    %dma_start3A_68 = tpu.memref_slice %arg4[%dma_start3A_64, %dma_start3A_66, %dma_start3A_67] : memref<2x56x1024xf32, #tpu.memory_space<vmem>> -> memref<1x56x1024xf32, #tpu.memory_space<vmem>>
    %dma_start3A_69 = tpu.memref_squeeze %dma_start3A_68 : memref<1x56x1024xf32, #tpu.memory_space<vmem>> -> memref<56x1024xf32, #tpu.memory_space<vmem>>
    %dma_start3A_70 = arith.constant 0 : i32
    %dma_start3A_71 = tpu.memref_slice %arg3[%add3A_63, %dma_start3A_70] : memref<32768x1024xf32, #tpu.memory_space<hbm>> -> memref<56x1024xf32, #tpu.memory_space<hbm>>
    %dma_start3A_72 = tpu.memref_slice %arg6[%dma_start3A_65] : memref<2x!tpu.dma_semaphore, #tpu.memory_space<semaphore_mem>> -> memref<1x!tpu.dma_semaphore, #tpu.memory_space<semaphore_mem>>
    %dma_start3A_73 = tpu.memref_squeeze %dma_start3A_72 : memref<1x!tpu.dma_semaphore, #tpu.memory_space<semaphore_mem>> -> memref<!tpu.dma_semaphore, #tpu.memory_space<semaphore_mem>>
    %dma_start3A_74 = arith.constant 0 : i32
    %dma_start3A_75 = tpu.memref_slice %arg3[%add3A_63, %dma_start3A_74] : memref<32768x1024xf32, #tpu.memory_space<hbm>> -> memref<56x1024xf32, #tpu.memory_space<hbm>>
    %dma_start3A_76 = arith.constant 0 : i32
    %dma_start3A_77 = arith.constant 0 : i32
    %dma_start3A_78 = tpu.memref_slice %arg4[%dma_start3A_64, %dma_start3A_76, %dma_start3A_77] : memref<2x56x1024xf32, #tpu.memory_space<vmem>> -> memref<1x56x1024xf32, #tpu.memory_space<vmem>>
    %dma_start3A_79 = tpu.memref_squeeze %dma_start3A_78 : memref<1x56x1024xf32, #tpu.memory_space<vmem>> -> memref<56x1024xf32, #tpu.memory_space<vmem>>
    tpu.enqueue_dma source(%dma_start3A_79 : memref<56x1024xf32, #tpu.memory_space<vmem>>) target(%dma_start3A_75 : memref<56x1024xf32, #tpu.memory_space<hbm>>) target_semaphore(%dma_start3A_73 : memref<!tpu.dma_semaphore, #tpu.memory_space<semaphore_mem>>)
    %add3A_80 = arith.constant 8192 : i32
    %add3A_81 = arith.addi %add3A_80, %add3A_7 : i32
    %add3A_82 = arith.constant 0 : i32
    %add3A_83 = arith.addi %add3A_81, %add3A_82 : i32
    %dma_start3A_84 = arith.constant 0 : i32
    %dma_start3A_85 = arith.constant 0 : i32
    %dma_start3A_86 = arith.constant 0 : i32
    %dma_start3A_87 = arith.constant 0 : i32
    %dma_start3A_88 = tpu.memref_slice %arg4[%dma_start3A_84, %dma_start3A_86, %dma_start3A_87] : memref<2x56x1024xf32, #tpu.memory_space<vmem>> -> memref<1x56x1024xf32, #tpu.memory_space<vmem>>
    %dma_start3A_89 = tpu.memref_squeeze %dma_start3A_88 : memref<1x56x1024xf32, #tpu.memory_space<vmem>> -> memref<56x1024xf32, #tpu.memory_space<vmem>>
    %dma_start3A_90 = arith.constant 0 : i32
    %dma_start3A_91 = tpu.memref_slice %arg3[%add3A_83, %dma_start3A_90] : memref<32768x1024xf32, #tpu.memory_space<hbm>> -> memref<56x1024xf32, #tpu.memory_space<hbm>>
    %dma_start3A_92 = tpu.memref_slice %arg6[%dma_start3A_85] : memref<2x!tpu.dma_semaphore, #tpu.memory_space<semaphore_mem>> -> memref<1x!tpu.dma_semaphore, #tpu.memory_space<semaphore_mem>>
    %dma_start3A_93 = tpu.memref_squeeze %dma_start3A_92 : memref<1x!tpu.dma_semaphore, #tpu.memory_space<semaphore_mem>> -> memref<!tpu.dma_semaphore, #tpu.memory_space<semaphore_mem>>
    %dma_start3A_94 = arith.constant 0 : i32
    %dma_start3A_95 = tpu.memref_slice %arg3[%add3A_83, %dma_start3A_94] : memref<32768x1024xf32, #tpu.memory_space<hbm>> -> memref<56x1024xf32, #tpu.memory_space<hbm>>
    %dma_start3A_96 = arith.constant 0 : i32
    %dma_start3A_97 = arith.constant 0 : i32
    %dma_start3A_98 = tpu.memref_slice %arg4[%dma_start3A_84, %dma_start3A_96, %dma_start3A_97] : memref<2x56x1024xf32, #tpu.memory_space<vmem>> -> memref<1x56x1024xf32, #tpu.memory_space<vmem>>
    %dma_start3A_99 = tpu.memref_squeeze %dma_start3A_98 : memref<1x56x1024xf32, #tpu.memory_space<vmem>> -> memref<56x1024xf32, #tpu.memory_space<vmem>>
    tpu.enqueue_dma source(%dma_start3A_99 : memref<56x1024xf32, #tpu.memory_space<vmem>>) target(%dma_start3A_95 : memref<56x1024xf32, #tpu.memory_space<hbm>>) target_semaphore(%dma_start3A_93 : memref<!tpu.dma_semaphore, #tpu.memory_space<semaphore_mem>>)
    %add3A_100 = arith.constant 16384 : i32
    %add3A_101 = arith.addi %add3A_100, %add3A_7 : i32
    %add3A_102 = arith.constant 0 : i32
    %add3A_103 = arith.addi %add3A_101, %add3A_102 : i32
    %dma_start3A_104 = arith.constant 0 : i32
    %dma_start3A_105 = arith.constant 0 : i32
    %dma_start3A_106 = arith.constant 0 : i32
    %dma_start3A_107 = arith.constant 0 : i32
    %dma_start3A_108 = tpu.memref_slice %arg4[%dma_start3A_104, %dma_start3A_106, %dma_start3A_107] : memref<2x56x1024xf32, #tpu.memory_space<vmem>> -> memref<1x56x1024xf32, #tpu.memory_space<vmem>>
    %dma_start3A_109 = tpu.memref_squeeze %dma_start3A_108 : memref<1x56x1024xf32, #tpu.memory_space<vmem>> -> memref<56x1024xf32, #tpu.memory_space<vmem>>
    %dma_start3A_110 = arith.constant 0 : i32
    %dma_start3A_111 = tpu.memref_slice %arg3[%add3A_103, %dma_start3A_110] : memref<32768x1024xf32, #tpu.memory_space<hbm>> -> memref<56x1024xf32, #tpu.memory_space<hbm>>
    %dma_start3A_112 = tpu.memref_slice %arg6[%dma_start3A_105] : memref<2x!tpu.dma_semaphore, #tpu.memory_space<semaphore_mem>> -> memref<1x!tpu.dma_semaphore, #tpu.memory_space<semaphore_mem>>
    %dma_start3A_113 = tpu.memref_squeeze %dma_start3A_112 : memref<1x!tpu.dma_semaphore, #tpu.memory_space<semaphore_mem>> -> memref<!tpu.dma_semaphore, #tpu.memory_space<semaphore_mem>>
    %dma_start3A_114 = arith.constant 0 : i32
    %dma_start3A_115 = tpu.memref_slice %arg3[%add3A_103, %dma_start3A_114] : memref<32768x1024xf32, #tpu.memory_space<hbm>> -> memref<56x1024xf32, #tpu.memory_space<hbm>>
    %dma_start3A_116 = arith.constant 0 : i32
    %dma_start3A_117 = arith.constant 0 : i32
    %dma_start3A_118 = tpu.memref_slice %arg4[%dma_start3A_104, %dma_start3A_116, %dma_start3A_117] : memref<2x56x1024xf32, #tpu.memory_space<vmem>> -> memref<1x56x1024xf32, #tpu.memory_space<vmem>>
    %dma_start3A_119 = tpu.memref_squeeze %dma_start3A_118 : memref<1x56x1024xf32, #tpu.memory_space<vmem>> -> memref<56x1024xf32, #tpu.memory_space<vmem>>
    tpu.enqueue_dma source(%dma_start3A_119 : memref<56x1024xf32, #tpu.memory_space<vmem>>) target(%dma_start3A_115 : memref<56x1024xf32, #tpu.memory_space<hbm>>) target_semaphore(%dma_start3A_113 : memref<!tpu.dma_semaphore, #tpu.memory_space<semaphore_mem>>)
    %add3A_120 = arith.constant 24576 : i32
    %add3A_121 = arith.addi %add3A_120, %add3A_7 : i32
    %add3A_122 = arith.constant 0 : i32
    %add3A_123 = arith.addi %add3A_121, %add3A_122 : i32
    %dma_start3A_124 = arith.constant 0 : i32
    %dma_start3A_125 = arith.constant 0 : i32
    %dma_start3A_126 = arith.constant 0 : i32
    %dma_start3A_127 = arith.constant 0 : i32
    %dma_start3A_128 = tpu.memref_slice %arg4[%dma_start3A_124, %dma_start3A_126, %dma_start3A_127] : memref<2x56x1024xf32, #tpu.memory_space<vmem>> -> memref<1x56x1024xf32, #tpu.memory_space<vmem>>
    %dma_start3A_129 = tpu.memref_squeeze %dma_start3A_128 : memref<1x56x1024xf32, #tpu.memory_space<vmem>> -> memref<56x1024xf32, #tpu.memory_space<vmem>>
    %dma_start3A_130 = arith.constant 0 : i32
    %dma_start3A_131 = tpu.memref_slice %arg3[%add3A_123, %dma_start3A_130] : memref<32768x1024xf32, #tpu.memory_space<hbm>> -> memref<56x1024xf32, #tpu.memory_space<hbm>>
    %dma_start3A_132 = tpu.memref_slice %arg6[%dma_start3A_125] : memref<2x!tpu.dma_semaphore, #tpu.memory_space<semaphore_mem>> -> memref<1x!tpu.dma_semaphore, #tpu.memory_space<semaphore_mem>>
    %dma_start3A_133 = tpu.memref_squeeze %dma_start3A_132 : memref<1x!tpu.dma_semaphore, #tpu.memory_space<semaphore_mem>> -> memref<!tpu.dma_semaphore, #tpu.memory_space<semaphore_mem>>
    %dma_start3A_134 = arith.constant 0 : i32
    %dma_start3A_135 = tpu.memref_slice %arg3[%add3A_123, %dma_start3A_134] : memref<32768x1024xf32, #tpu.memory_space<hbm>> -> memref<56x1024xf32, #tpu.memory_space<hbm>>
    %dma_start3A_136 = arith.constant 0 : i32
    %dma_start3A_137 = arith.constant 0 : i32
    %dma_start3A_138 = tpu.memref_slice %arg4[%dma_start3A_124, %dma_start3A_136, %dma_start3A_137] : memref<2x56x1024xf32, #tpu.memory_space<vmem>> -> memref<1x56x1024xf32, #tpu.memory_space<vmem>>
    %dma_start3A_139 = tpu.memref_squeeze %dma_start3A_138 : memref<1x56x1024xf32, #tpu.memory_space<vmem>> -> memref<56x1024xf32, #tpu.memory_space<vmem>>
    tpu.enqueue_dma source(%dma_start3A_139 : memref<56x1024xf32, #tpu.memory_space<vmem>>) target(%dma_start3A_135 : memref<56x1024xf32, #tpu.memory_space<hbm>>) target_semaphore(%dma_start3A_133 : memref<!tpu.dma_semaphore, #tpu.memory_space<semaphore_mem>>)
    %add3A_140 = arith.constant 0 : i32
    %add3A_141 = arith.addi %add3A_140, %add3A_7 : i32
    %add3A_142 = arith.constant 0 : i32
    %add3A_143 = arith.addi %add3A_141, %add3A_142 : i32
    %dma_wait3A_144 = arith.constant 0 : i32
    %dma_wait3A_145 = arith.constant 0 : i32
    %dma_wait3A_146 = arith.constant 0 : i32
    %dma_wait3A_147 = arith.constant 0 : i32
    %dma_wait3A_148 = tpu.memref_slice %arg4[%dma_wait3A_144, %dma_wait3A_146, %dma_wait3A_147] : memref<2x56x1024xf32, #tpu.memory_space<vmem>> -> memref<1x56x1024xf32, #tpu.memory_space<vmem>>
    %dma_wait3A_149 = tpu.memref_squeeze %dma_wait3A_148 : memref<1x56x1024xf32, #tpu.memory_space<vmem>> -> memref<56x1024xf32, #tpu.memory_space<vmem>>
    %dma_wait3A_150 = arith.constant 0 : i32
    %dma_wait3A_151 = tpu.memref_slice %arg3[%add3A_143, %dma_wait3A_150] : memref<32768x1024xf32, #tpu.memory_space<hbm>> -> memref<56x1024xf32, #tpu.memory_space<hbm>>
    %dma_wait3A_152 = tpu.memref_slice %arg6[%dma_wait3A_145] : memref<2x!tpu.dma_semaphore, #tpu.memory_space<semaphore_mem>> -> memref<1x!tpu.dma_semaphore, #tpu.memory_space<semaphore_mem>>
    %dma_wait3A_153 = tpu.memref_squeeze %dma_wait3A_152 : memref<1x!tpu.dma_semaphore, #tpu.memory_space<semaphore_mem>> -> memref<!tpu.dma_semaphore, #tpu.memory_space<semaphore_mem>>
    %dma_wait3A_154 = arith.constant 0 : i32
    %dma_wait3A_155 = tpu.memref_slice %arg3[%add3A_143, %dma_wait3A_154] : memref<32768x1024xf32, #tpu.memory_space<hbm>> -> memref<56x1024xf32, #tpu.memory_space<hbm>>
    %dma_wait3A_156 = arith.constant 0 : i32
    %dma_wait3A_157 = arith.constant 0 : i32
    %dma_wait3A_158 = tpu.memref_slice %arg4[%dma_wait3A_144, %dma_wait3A_156, %dma_wait3A_157] : memref<2x56x1024xf32, #tpu.memory_space<vmem>> -> memref<1x56x1024xf32, #tpu.memory_space<vmem>>
    %dma_wait3A_159 = tpu.memref_squeeze %dma_wait3A_158 : memref<1x56x1024xf32, #tpu.memory_space<vmem>> -> memref<56x1024xf32, #tpu.memory_space<vmem>>
    tpu.wait_dma2 semaphore(%dma_wait3A_153 : memref<!tpu.dma_semaphore, #tpu.memory_space<semaphore_mem>>) src(%dma_wait3A_159 : memref<56x1024xf32, #tpu.memory_space<vmem>>) dst(%dma_wait3A_155 : memref<56x1024xf32, #tpu.memory_space<hbm>>)
    %add3A_160 = arith.constant 8192 : i32
    %add3A_161 = arith.addi %add3A_160, %add3A_7 : i32
    %add3A_162 = arith.constant 0 : i32
    %add3A_163 = arith.addi %add3A_161, %add3A_162 : i32
    %dma_wait3A_164 = arith.constant 0 : i32
    %dma_wait3A_165 = arith.constant 0 : i32
    %dma_wait3A_166 = arith.constant 0 : i32
    %dma_wait3A_167 = arith.constant 0 : i32
    %dma_wait3A_168 = tpu.memref_slice %arg4[%dma_wait3A_164, %dma_wait3A_166, %dma_wait3A_167] : memref<2x56x1024xf32, #tpu.memory_space<vmem>> -> memref<1x56x1024xf32, #tpu.memory_space<vmem>>
    %dma_wait3A_169 = tpu.memref_squeeze %dma_wait3A_168 : memref<1x56x1024xf32, #tpu.memory_space<vmem>> -> memref<56x1024xf32, #tpu.memory_space<vmem>>
    %dma_wait3A_170 = arith.constant 0 : i32
    %dma_wait3A_171 = tpu.memref_slice %arg3[%add3A_163, %dma_wait3A_170] : memref<32768x1024xf32, #tpu.memory_space<hbm>> -> memref<56x1024xf32, #tpu.memory_space<hbm>>
    %dma_wait3A_172 = tpu.memref_slice %arg6[%dma_wait3A_165] : memref<2x!tpu.dma_semaphore, #tpu.memory_space<semaphore_mem>> -> memref<1x!tpu.dma_semaphore, #tpu.memory_space<semaphore_mem>>
    %dma_wait3A_173 = tpu.memref_squeeze %dma_wait3A_172 : memref<1x!tpu.dma_semaphore, #tpu.memory_space<semaphore_mem>> -> memref<!tpu.dma_semaphore, #tpu.memory_space<semaphore_mem>>
    %dma_wait3A_174 = arith.constant 0 : i32
    %dma_wait3A_175 = tpu.memref_slice %arg3[%add3A_163, %dma_wait3A_174] : memref<32768x1024xf32, #tpu.memory_space<hbm>> -> memref<56x1024xf32, #tpu.memory_space<hbm>>
    %dma_wait3A_176 = arith.constant 0 : i32
    %dma_wait3A_177 = arith.constant 0 : i32
    %dma_wait3A_178 = tpu.memref_slice %arg4[%dma_wait3A_164, %dma_wait3A_176, %dma_wait3A_177] : memref<2x56x1024xf32, #tpu.memory_space<vmem>> -> memref<1x56x1024xf32, #tpu.memory_space<vmem>>
    %dma_wait3A_179 = tpu.memref_squeeze %dma_wait3A_178 : memref<1x56x1024xf32, #tpu.memory_space<vmem>> -> memref<56x1024xf32, #tpu.memory_space<vmem>>
    tpu.wait_dma2 semaphore(%dma_wait3A_173 : memref<!tpu.dma_semaphore, #tpu.memory_space<semaphore_mem>>) src(%dma_wait3A_179 : memref<56x1024xf32, #tpu.memory_space<vmem>>) dst(%dma_wait3A_175 : memref<56x1024xf32, #tpu.memory_space<hbm>>)
    %add3A_180 = arith.constant 16384 : i32
    %add3A_181 = arith.addi %add3A_180, %add3A_7 : i32
    %add3A_182 = arith.constant 0 : i32
    %add3A_183 = arith.addi %add3A_181, %add3A_182 : i32
    %dma_wait3A_184 = arith.constant 0 : i32
    %dma_wait3A_185 = arith.constant 0 : i32
    %dma_wait3A_186 = arith.constant 0 : i32
    %dma_wait3A_187 = arith.constant 0 : i32
    %dma_wait3A_188 = tpu.memref_slice %arg4[%dma_wait3A_184, %dma_wait3A_186, %dma_wait3A_187] : memref<2x56x1024xf32, #tpu.memory_space<vmem>> -> memref<1x56x1024xf32, #tpu.memory_space<vmem>>
    %dma_wait3A_189 = tpu.memref_squeeze %dma_wait3A_188 : memref<1x56x1024xf32, #tpu.memory_space<vmem>> -> memref<56x1024xf32, #tpu.memory_space<vmem>>
    %dma_wait3A_190 = arith.constant 0 : i32
    %dma_wait3A_191 = tpu.memref_slice %arg3[%add3A_183, %dma_wait3A_190] : memref<32768x1024xf32, #tpu.memory_space<hbm>> -> memref<56x1024xf32, #tpu.memory_space<hbm>>
    %dma_wait3A_192 = tpu.memref_slice %arg6[%dma_wait3A_185] : memref<2x!tpu.dma_semaphore, #tpu.memory_space<semaphore_mem>> -> memref<1x!tpu.dma_semaphore, #tpu.memory_space<semaphore_mem>>
    %dma_wait3A_193 = tpu.memref_squeeze %dma_wait3A_192 : memref<1x!tpu.dma_semaphore, #tpu.memory_space<semaphore_mem>> -> memref<!tpu.dma_semaphore, #tpu.memory_space<semaphore_mem>>
    %dma_wait3A_194 = arith.constant 0 : i32
    %dma_wait3A_195 = tpu.memref_slice %arg3[%add3A_183, %dma_wait3A_194] : memref<32768x1024xf32, #tpu.memory_space<hbm>> -> memref<56x1024xf32, #tpu.memory_space<hbm>>
    %dma_wait3A_196 = arith.constant 0 : i32
    %dma_wait3A_197 = arith.constant 0 : i32
    %dma_wait3A_198 = tpu.memref_slice %arg4[%dma_wait3A_184, %dma_wait3A_196, %dma_wait3A_197] : memref<2x56x1024xf32, #tpu.memory_space<vmem>> -> memref<1x56x1024xf32, #tpu.memory_space<vmem>>
    %dma_wait3A_199 = tpu.memref_squeeze %dma_wait3A_198 : memref<1x56x1024xf32, #tpu.memory_space<vmem>> -> memref<56x1024xf32, #tpu.memory_space<vmem>>
    tpu.wait_dma2 semaphore(%dma_wait3A_193 : memref<!tpu.dma_semaphore, #tpu.memory_space<semaphore_mem>>) src(%dma_wait3A_199 : memref<56x1024xf32, #tpu.memory_space<vmem>>) dst(%dma_wait3A_195 : memref<56x1024xf32, #tpu.memory_space<hbm>>)
    %add3A_200 = arith.constant 24576 : i32
    %add3A_201 = arith.addi %add3A_200, %add3A_7 : i32
    %add3A_202 = arith.constant 0 : i32
    %add3A_203 = arith.addi %add3A_201, %add3A_202 : i32
    %dma_wait3A_204 = arith.constant 0 : i32
    %dma_wait3A_205 = arith.constant 0 : i32
    %dma_wait3A_206 = arith.constant 0 : i32
    %dma_wait3A_207 = arith.constant 0 : i32
    %dma_wait3A_208 = tpu.memref_slice %arg4[%dma_wait3A_204, %dma_wait3A_206, %dma_wait3A_207] : memref<2x56x1024xf32, #tpu.memory_space<vmem>> -> memref<1x56x1024xf32, #tpu.memory_space<vmem>>
    %dma_wait3A_209 = tpu.memref_squeeze %dma_wait3A_208 : memref<1x56x1024xf32, #tpu.memory_space<vmem>> -> memref<56x1024xf32, #tpu.memory_space<vmem>>
    %dma_wait3A_210 = arith.constant 0 : i32
    %dma_wait3A_211 = tpu.memref_slice %arg3[%add3A_203, %dma_wait3A_210] : memref<32768x1024xf32, #tpu.memory_space<hbm>> -> memref<56x1024xf32, #tpu.memory_space<hbm>>
    %dma_wait3A_212 = tpu.memref_slice %arg6[%dma_wait3A_205] : memref<2x!tpu.dma_semaphore, #tpu.memory_space<semaphore_mem>> -> memref<1x!tpu.dma_semaphore, #tpu.memory_space<semaphore_mem>>
    %dma_wait3A_213 = tpu.memref_squeeze %dma_wait3A_212 : memref<1x!tpu.dma_semaphore, #tpu.memory_space<semaphore_mem>> -> memref<!tpu.dma_semaphore, #tpu.memory_space<semaphore_mem>>
    %dma_wait3A_214 = arith.constant 0 : i32
    %dma_wait3A_215 = tpu.memref_slice %arg3[%add3A_203, %dma_wait3A_214] : memref<32768x1024xf32, #tpu.memory_space<hbm>> -> memref<56x1024xf32, #tpu.memory_space<hbm>>
    %dma_wait3A_216 = arith.constant 0 : i32
    %dma_wait3A_217 = arith.constant 0 : i32
    %dma_wait3A_218 = tpu.memref_slice %arg4[%dma_wait3A_204, %dma_wait3A_216, %dma_wait3A_217] : memref<2x56x1024xf32, #tpu.memory_space<vmem>> -> memref<1x56x1024xf32, #tpu.memory_space<vmem>>
    %dma_wait3A_219 = tpu.memref_squeeze %dma_wait3A_218 : memref<1x56x1024xf32, #tpu.memory_space<vmem>> -> memref<56x1024xf32, #tpu.memory_space<vmem>>
    tpu.wait_dma2 semaphore(%dma_wait3A_213 : memref<!tpu.dma_semaphore, #tpu.memory_space<semaphore_mem>>) src(%dma_wait3A_219 : memref<56x1024xf32, #tpu.memory_space<vmem>>) dst(%dma_wait3A_215 : memref<56x1024xf32, #tpu.memory_space<hbm>>)
    %add3A_220 = arith.constant 112 : i32
    %add3A_221 = arith.addi %add3A_7, %add3A_220 : i32
    %dma_start3A_222 = arith.constant 0 : i32
    %dma_start3A_223 = arith.constant 0 : i32
    %dma_start3A_224 = arith.constant 0 : i32
    %dma_start3A_225 = arith.constant 0 : i32
    %dma_start3A_226 = tpu.memref_slice %arg4[%dma_start3A_222, %dma_start3A_224, %dma_start3A_225] : memref<2x56x1024xf32, #tpu.memory_space<vmem>> -> memref<1x56x1024xf32, #tpu.memory_space<vmem>>
    %dma_start3A_227 = tpu.memref_squeeze %dma_start3A_226 : memref<1x56x1024xf32, #tpu.memory_space<vmem>> -> memref<56x1024xf32, #tpu.memory_space<vmem>>
    %dma_start3A_228 = arith.constant 0 : i32
    %dma_start3A_229 = tpu.memref_slice %arg2[%add3A_221, %dma_start3A_228] : memref<8192x1024xf32, #tpu.memory_space<hbm>> -> memref<56x1024xf32, #tpu.memory_space<hbm>>
    %dma_start3A_230 = tpu.memref_slice %arg5[%dma_start3A_223] : memref<2x!tpu.dma_semaphore, #tpu.memory_space<semaphore_mem>> -> memref<1x!tpu.dma_semaphore, #tpu.memory_space<semaphore_mem>>
    %dma_start3A_231 = tpu.memref_squeeze %dma_start3A_230 : memref<1x!tpu.dma_semaphore, #tpu.memory_space<semaphore_mem>> -> memref<!tpu.dma_semaphore, #tpu.memory_space<semaphore_mem>>
    %dma_start3A_232 = arith.constant 0 : i32
    %dma_start3A_233 = arith.constant 0 : i32
    %dma_start3A_234 = tpu.memref_slice %arg4[%dma_start3A_222, %dma_start3A_232, %dma_start3A_233] : memref<2x56x1024xf32, #tpu.memory_space<vmem>> -> memref<1x56x1024xf32, #tpu.memory_space<vmem>>
    %dma_start3A_235 = tpu.memref_squeeze %dma_start3A_234 : memref<1x56x1024xf32, #tpu.memory_space<vmem>> -> memref<56x1024xf32, #tpu.memory_space<vmem>>
    %dma_start3A_236 = arith.constant 0 : i32
    %dma_start3A_237 = tpu.memref_slice %arg2[%add3A_221, %dma_start3A_236] : memref<8192x1024xf32, #tpu.memory_space<hbm>> -> memref<56x1024xf32, #tpu.memory_space<hbm>>
    tpu.enqueue_dma source(%dma_start3A_237 : memref<56x1024xf32, #tpu.memory_space<hbm>>) target(%dma_start3A_235 : memref<56x1024xf32, #tpu.memory_space<vmem>>) target_semaphore(%dma_start3A_231 : memref<!tpu.dma_semaphore, #tpu.memory_space<semaphore_mem>>)
    %add3A_238 = arith.constant 56 : i32
    %add3A_239 = arith.addi %add3A_7, %add3A_238 : i32
    %dma_wait3A_240 = arith.constant 1 : i32
    %dma_wait3A_241 = arith.constant 1 : i32
    %dma_wait3A_242 = arith.constant 0 : i32
    %dma_wait3A_243 = arith.constant 0 : i32
    %dma_wait3A_244 = tpu.memref_slice %arg4[%dma_wait3A_240, %dma_wait3A_242, %dma_wait3A_243] : memref<2x56x1024xf32, #tpu.memory_space<vmem>> -> memref<1x56x1024xf32, #tpu.memory_space<vmem>>
    %dma_wait3A_245 = tpu.memref_squeeze %dma_wait3A_244 : memref<1x56x1024xf32, #tpu.memory_space<vmem>> -> memref<56x1024xf32, #tpu.memory_space<vmem>>
    %dma_wait3A_246 = arith.constant 0 : i32
    %dma_wait3A_247 = tpu.memref_slice %arg2[%add3A_239, %dma_wait3A_246] : memref<8192x1024xf32, #tpu.memory_space<hbm>> -> memref<56x1024xf32, #tpu.memory_space<hbm>>
    %dma_wait3A_248 = tpu.memref_slice %arg5[%dma_wait3A_241] : memref<2x!tpu.dma_semaphore, #tpu.memory_space<semaphore_mem>> -> memref<1x!tpu.dma_semaphore, #tpu.memory_space<semaphore_mem>>
    %dma_wait3A_249 = tpu.memref_squeeze %dma_wait3A_248 : memref<1x!tpu.dma_semaphore, #tpu.memory_space<semaphore_mem>> -> memref<!tpu.dma_semaphore, #tpu.memory_space<semaphore_mem>>
    %dma_wait3A_250 = arith.constant 0 : i32
    %dma_wait3A_251 = arith.constant 0 : i32
    %dma_wait3A_252 = tpu.memref_slice %arg4[%dma_wait3A_240, %dma_wait3A_250, %dma_wait3A_251] : memref<2x56x1024xf32, #tpu.memory_space<vmem>> -> memref<1x56x1024xf32, #tpu.memory_space<vmem>>
    %dma_wait3A_253 = tpu.memref_squeeze %dma_wait3A_252 : memref<1x56x1024xf32, #tpu.memory_space<vmem>> -> memref<56x1024xf32, #tpu.memory_space<vmem>>
    %dma_wait3A_254 = arith.constant 0 : i32
    %dma_wait3A_255 = tpu.memref_slice %arg2[%add3A_239, %dma_wait3A_254] : memref<8192x1024xf32, #tpu.memory_space<hbm>> -> memref<56x1024xf32, #tpu.memory_space<hbm>>
    tpu.wait_dma2 semaphore(%dma_wait3A_249 : memref<!tpu.dma_semaphore, #tpu.memory_space<semaphore_mem>>) src(%dma_wait3A_255 : memref<56x1024xf32, #tpu.memory_space<hbm>>) dst(%dma_wait3A_253 : memref<56x1024xf32, #tpu.memory_space<vmem>>)
    %add3A_256 = arith.constant 0 : i32
    %add3A_257 = arith.addi %add3A_256, %add3A_7 : i32
    %add3A_258 = arith.constant 56 : i32
    %add3A_259 = arith.addi %add3A_257, %add3A_258 : i32
    %dma_start3A_260 = arith.constant 1 : i32
    %dma_start3A_261 = arith.constant 1 : i32
    %dma_start3A_262 = arith.constant 0 : i32
    %dma_start3A_263 = arith.constant 0 : i32
    %dma_start3A_264 = tpu.memref_slice %arg4[%dma_start3A_260, %dma_start3A_262, %dma_start3A_263] : memref<2x56x1024xf32, #tpu.memory_space<vmem>> -> memref<1x56x1024xf32, #tpu.memory_space<vmem>>
    %dma_start3A_265 = tpu.memref_squeeze %dma_start3A_264 : memref<1x56x1024xf32, #tpu.memory_space<vmem>> -> memref<56x1024xf32, #tpu.memory_space<vmem>>
    %dma_start3A_266 = arith.constant 0 : i32
    %dma_start3A_267 = tpu.memref_slice %arg3[%add3A_259, %dma_start3A_266] : memref<32768x1024xf32, #tpu.memory_space<hbm>> -> memref<56x1024xf32, #tpu.memory_space<hbm>>
    %dma_start3A_268 = tpu.memref_slice %arg6[%dma_start3A_261] : memref<2x!tpu.dma_semaphore, #tpu.memory_space<semaphore_mem>> -> memref<1x!tpu.dma_semaphore, #tpu.memory_space<semaphore_mem>>
    %dma_start3A_269 = tpu.memref_squeeze %dma_start3A_268 : memref<1x!tpu.dma_semaphore, #tpu.memory_space<semaphore_mem>> -> memref<!tpu.dma_semaphore, #tpu.memory_space<semaphore_mem>>
    %dma_start3A_270 = arith.constant 0 : i32
    %dma_start3A_271 = tpu.memref_slice %arg3[%add3A_259, %dma_start3A_270] : memref<32768x1024xf32, #tpu.memory_space<hbm>> -> memref<56x1024xf32, #tpu.memory_space<hbm>>
    %dma_start3A_272 = arith.constant 0 : i32
    %dma_start3A_273 = arith.constant 0 : i32
    %dma_start3A_274 = tpu.memref_slice %arg4[%dma_start3A_260, %dma_start3A_272, %dma_start3A_273] : memref<2x56x1024xf32, #tpu.memory_space<vmem>> -> memref<1x56x1024xf32, #tpu.memory_space<vmem>>
    %dma_start3A_275 = tpu.memref_squeeze %dma_start3A_274 : memref<1x56x1024xf32, #tpu.memory_space<vmem>> -> memref<56x1024xf32, #tpu.memory_space<vmem>>
    tpu.enqueue_dma source(%dma_start3A_275 : memref<56x1024xf32, #tpu.memory_space<vmem>>) target(%dma_start3A_271 : memref<56x1024xf32, #tpu.memory_space<hbm>>) target_semaphore(%dma_start3A_269 : memref<!tpu.dma_semaphore, #tpu.memory_space<semaphore_mem>>)
    %add3A_276 = arith.constant 8192 : i32
    %add3A_277 = arith.addi %add3A_276, %add3A_7 : i32
    %add3A_278 = arith.constant 56 : i32
    %add3A_279 = arith.addi %add3A_277, %add3A_278 : i32
    %dma_start3A_280 = arith.constant 1 : i32
    %dma_start3A_281 = arith.constant 1 : i32
    %dma_start3A_282 = arith.constant 0 : i32
    %dma_start3A_283 = arith.constant 0 : i32
    %dma_start3A_284 = tpu.memref_slice %arg4[%dma_start3A_280, %dma_start3A_282, %dma_start3A_283] : memref<2x56x1024xf32, #tpu.memory_space<vmem>> -> memref<1x56x1024xf32, #tpu.memory_space<vmem>>
    %dma_start3A_285 = tpu.memref_squeeze %dma_start3A_284 : memref<1x56x1024xf32, #tpu.memory_space<vmem>> -> memref<56x1024xf32, #tpu.memory_space<vmem>>
    %dma_start3A_286 = arith.constant 0 : i32
    %dma_start3A_287 = tpu.memref_slice %arg3[%add3A_279, %dma_start3A_286] : memref<32768x1024xf32, #tpu.memory_space<hbm>> -> memref<56x1024xf32, #tpu.memory_space<hbm>>
    %dma_start3A_288 = tpu.memref_slice %arg6[%dma_start3A_281] : memref<2x!tpu.dma_semaphore, #tpu.memory_space<semaphore_mem>> -> memref<1x!tpu.dma_semaphore, #tpu.memory_space<semaphore_mem>>
    %dma_start3A_289 = tpu.memref_squeeze %dma_start3A_288 : memref<1x!tpu.dma_semaphore, #tpu.memory_space<semaphore_mem>> -> memref<!tpu.dma_semaphore, #tpu.memory_space<semaphore_mem>>
    %dma_start3A_290 = arith.constant 0 : i32
    %dma_start3A_291 = tpu.memref_slice %arg3[%add3A_279, %dma_start3A_290] : memref<32768x1024xf32, #tpu.memory_space<hbm>> -> memref<56x1024xf32, #tpu.memory_space<hbm>>
    %dma_start3A_292 = arith.constant 0 : i32
    %dma_start3A_293 = arith.constant 0 : i32
    %dma_start3A_294 = tpu.memref_slice %arg4[%dma_start3A_280, %dma_start3A_292, %dma_start3A_293] : memref<2x56x1024xf32, #tpu.memory_space<vmem>> -> memref<1x56x1024xf32, #tpu.memory_space<vmem>>
    %dma_start3A_295 = tpu.memref_squeeze %dma_start3A_294 : memref<1x56x1024xf32, #tpu.memory_space<vmem>> -> memref<56x1024xf32, #tpu.memory_space<vmem>>
    tpu.enqueue_dma source(%dma_start3A_295 : memref<56x1024xf32, #tpu.memory_space<vmem>>) target(%dma_start3A_291 : memref<56x1024xf32, #tpu.memory_space<hbm>>) target_semaphore(%dma_start3A_289 : memref<!tpu.dma_semaphore, #tpu.memory_space<semaphore_mem>>)
    %add3A_296 = arith.constant 16384 : i32
    %add3A_297 = arith.addi %add3A_296, %add3A_7 : i32
    %add3A_298 = arith.constant 56 : i32
    %add3A_299 = arith.addi %add3A_297, %add3A_298 : i32
    %dma_start3A_300 = arith.constant 1 : i32
    %dma_start3A_301 = arith.constant 1 : i32
    %dma_start3A_302 = arith.constant 0 : i32
    %dma_start3A_303 = arith.constant 0 : i32
    %dma_start3A_304 = tpu.memref_slice %arg4[%dma_start3A_300, %dma_start3A_302, %dma_start3A_303] : memref<2x56x1024xf32, #tpu.memory_space<vmem>> -> memref<1x56x1024xf32, #tpu.memory_space<vmem>>
    %dma_start3A_305 = tpu.memref_squeeze %dma_start3A_304 : memref<1x56x1024xf32, #tpu.memory_space<vmem>> -> memref<56x1024xf32, #tpu.memory_space<vmem>>
    %dma_start3A_306 = arith.constant 0 : i32
    %dma_start3A_307 = tpu.memref_slice %arg3[%add3A_299, %dma_start3A_306] : memref<32768x1024xf32, #tpu.memory_space<hbm>> -> memref<56x1024xf32, #tpu.memory_space<hbm>>
    %dma_start3A_308 = tpu.memref_slice %arg6[%dma_start3A_301] : memref<2x!tpu.dma_semaphore, #tpu.memory_space<semaphore_mem>> -> memref<1x!tpu.dma_semaphore, #tpu.memory_space<semaphore_mem>>
    %dma_start3A_309 = tpu.memref_squeeze %dma_start3A_308 : memref<1x!tpu.dma_semaphore, #tpu.memory_space<semaphore_mem>> -> memref<!tpu.dma_semaphore, #tpu.memory_space<semaphore_mem>>
    %dma_start3A_310 = arith.constant 0 : i32
    %dma_start3A_311 = tpu.memref_slice %arg3[%add3A_299, %dma_start3A_310] : memref<32768x1024xf32, #tpu.memory_space<hbm>> -> memref<56x1024xf32, #tpu.memory_space<hbm>>
    %dma_start3A_312 = arith.constant 0 : i32
    %dma_start3A_313 = arith.constant 0 : i32
    %dma_start3A_314 = tpu.memref_slice %arg4[%dma_start3A_300, %dma_start3A_312, %dma_start3A_313] : memref<2x56x1024xf32, #tpu.memory_space<vmem>> -> memref<1x56x1024xf32, #tpu.memory_space<vmem>>
    %dma_start3A_315 = tpu.memref_squeeze %dma_start3A_314 : memref<1x56x1024xf32, #tpu.memory_space<vmem>> -> memref<56x1024xf32, #tpu.memory_space<vmem>>
    tpu.enqueue_dma source(%dma_start3A_315 : memref<56x1024xf32, #tpu.memory_space<vmem>>) target(%dma_start3A_311 : memref<56x1024xf32, #tpu.memory_space<hbm>>) target_semaphore(%dma_start3A_309 : memref<!tpu.dma_semaphore, #tpu.memory_space<semaphore_mem>>)
    %add3A_316 = arith.constant 24576 : i32
    %add3A_317 = arith.addi %add3A_316, %add3A_7 : i32
    %add3A_318 = arith.constant 56 : i32
    %add3A_319 = arith.addi %add3A_317, %add3A_318 : i32
    %dma_start3A_320 = arith.constant 1 : i32
    %dma_start3A_321 = arith.constant 1 : i32
    %dma_start3A_322 = arith.constant 0 : i32
    %dma_start3A_323 = arith.constant 0 : i32
    %dma_start3A_324 = tpu.memref_slice %arg4[%dma_start3A_320, %dma_start3A_322, %dma_start3A_323] : memref<2x56x1024xf32, #tpu.memory_space<vmem>> -> memref<1x56x1024xf32, #tpu.memory_space<vmem>>
    %dma_start3A_325 = tpu.memref_squeeze %dma_start3A_324 : memref<1x56x1024xf32, #tpu.memory_space<vmem>> -> memref<56x1024xf32, #tpu.memory_space<vmem>>
    %dma_start3A_326 = arith.constant 0 : i32
    %dma_start3A_327 = tpu.memref_slice %arg3[%add3A_319, %dma_start3A_326] : memref<32768x1024xf32, #tpu.memory_space<hbm>> -> memref<56x1024xf32, #tpu.memory_space<hbm>>
    %dma_start3A_328 = tpu.memref_slice %arg6[%dma_start3A_321] : memref<2x!tpu.dma_semaphore, #tpu.memory_space<semaphore_mem>> -> memref<1x!tpu.dma_semaphore, #tpu.memory_space<semaphore_mem>>
    %dma_start3A_329 = tpu.memref_squeeze %dma_start3A_328 : memref<1x!tpu.dma_semaphore, #tpu.memory_space<semaphore_mem>> -> memref<!tpu.dma_semaphore, #tpu.memory_space<semaphore_mem>>
    %dma_start3A_330 = arith.constant 0 : i32
    %dma_start3A_331 = tpu.memref_slice %arg3[%add3A_319, %dma_start3A_330] : memref<32768x1024xf32, #tpu.memory_space<hbm>> -> memref<56x1024xf32, #tpu.memory_space<hbm>>
    %dma_start3A_332 = arith.constant 0 : i32
    %dma_start3A_333 = arith.constant 0 : i32
    %dma_start3A_334 = tpu.memref_slice %arg4[%dma_start3A_320, %dma_start3A_332, %dma_start3A_333] : memref<2x56x1024xf32, #tpu.memory_space<vmem>> -> memref<1x56x1024xf32, #tpu.memory_space<vmem>>
    %dma_start3A_335 = tpu.memref_squeeze %dma_start3A_334 : memref<1x56x1024xf32, #tpu.memory_space<vmem>> -> memref<56x1024xf32, #tpu.memory_space<vmem>>
    tpu.enqueue_dma source(%dma_start3A_335 : memref<56x1024xf32, #tpu.memory_space<vmem>>) target(%dma_start3A_331 : memref<56x1024xf32, #tpu.memory_space<hbm>>) target_semaphore(%dma_start3A_329 : memref<!tpu.dma_semaphore, #tpu.memory_space<semaphore_mem>>)
    %add3A_336 = arith.constant 0 : i32
    %add3A_337 = arith.addi %add3A_336, %add3A_7 : i32
    %add3A_338 = arith.constant 56 : i32
    %add3A_339 = arith.addi %add3A_337, %add3A_338 : i32
    %dma_wait3A_340 = arith.constant 1 : i32
    %dma_wait3A_341 = arith.constant 1 : i32
    %dma_wait3A_342 = arith.constant 0 : i32
    %dma_wait3A_343 = arith.constant 0 : i32
    %dma_wait3A_344 = tpu.memref_slice %arg4[%dma_wait3A_340, %dma_wait3A_342, %dma_wait3A_343] : memref<2x56x1024xf32, #tpu.memory_space<vmem>> -> memref<1x56x1024xf32, #tpu.memory_space<vmem>>
    %dma_wait3A_345 = tpu.memref_squeeze %dma_wait3A_344 : memref<1x56x1024xf32, #tpu.memory_space<vmem>> -> memref<56x1024xf32, #tpu.memory_space<vmem>>
    %dma_wait3A_346 = arith.constant 0 : i32
    %dma_wait3A_347 = tpu.memref_slice %arg3[%add3A_339, %dma_wait3A_346] : memref<32768x1024xf32, #tpu.memory_space<hbm>> -> memref<56x1024xf32, #tpu.memory_space<hbm>>
    %dma_wait3A_348 = tpu.memref_slice %arg6[%dma_wait3A_341] : memref<2x!tpu.dma_semaphore, #tpu.memory_space<semaphore_mem>> -> memref<1x!tpu.dma_semaphore, #tpu.memory_space<semaphore_mem>>
    %dma_wait3A_349 = tpu.memref_squeeze %dma_wait3A_348 : memref<1x!tpu.dma_semaphore, #tpu.memory_space<semaphore_mem>> -> memref<!tpu.dma_semaphore, #tpu.memory_space<semaphore_mem>>
    %dma_wait3A_350 = arith.constant 0 : i32
    %dma_wait3A_351 = tpu.memref_slice %arg3[%add3A_339, %dma_wait3A_350] : memref<32768x1024xf32, #tpu.memory_space<hbm>> -> memref<56x1024xf32, #tpu.memory_space<hbm>>
    %dma_wait3A_352 = arith.constant 0 : i32
    %dma_wait3A_353 = arith.constant 0 : i32
    %dma_wait3A_354 = tpu.memref_slice %arg4[%dma_wait3A_340, %dma_wait3A_352, %dma_wait3A_353] : memref<2x56x1024xf32, #tpu.memory_space<vmem>> -> memref<1x56x1024xf32, #tpu.memory_space<vmem>>
    %dma_wait3A_355 = tpu.memref_squeeze %dma_wait3A_354 : memref<1x56x1024xf32, #tpu.memory_space<vmem>> -> memref<56x1024xf32, #tpu.memory_space<vmem>>
    tpu.wait_dma2 semaphore(%dma_wait3A_349 : memref<!tpu.dma_semaphore, #tpu.memory_space<semaphore_mem>>) src(%dma_wait3A_355 : memref<56x1024xf32, #tpu.memory_space<vmem>>) dst(%dma_wait3A_351 : memref<56x1024xf32, #tpu.memory_space<hbm>>)
    %add3A_356 = arith.constant 8192 : i32
    %add3A_357 = arith.addi %add3A_356, %add3A_7 : i32
    %add3A_358 = arith.constant 56 : i32
    %add3A_359 = arith.addi %add3A_357, %add3A_358 : i32
    %dma_wait3A_360 = arith.constant 1 : i32
    %dma_wait3A_361 = arith.constant 1 : i32
    %dma_wait3A_362 = arith.constant 0 : i32
    %dma_wait3A_363 = arith.constant 0 : i32
    %dma_wait3A_364 = tpu.memref_slice %arg4[%dma_wait3A_360, %dma_wait3A_362, %dma_wait3A_363] : memref<2x56x1024xf32, #tpu.memory_space<vmem>> -> memref<1x56x1024xf32, #tpu.memory_space<vmem>>
    %dma_wait3A_365 = tpu.memref_squeeze %dma_wait3A_364 : memref<1x56x1024xf32, #tpu.memory_space<vmem>> -> memref<56x1024xf32, #tpu.memory_space<vmem>>
    %dma_wait3A_366 = arith.constant 0 : i32
    %dma_wait3A_367 = tpu.memref_slice %arg3[%add3A_359, %dma_wait3A_366] : memref<32768x1024xf32, #tpu.memory_space<hbm>> -> memref<56x1024xf32, #tpu.memory_space<hbm>>
    %dma_wait3A_368 = tpu.memref_slice %arg6[%dma_wait3A_361] : memref<2x!tpu.dma_semaphore, #tpu.memory_space<semaphore_mem>> -> memref<1x!tpu.dma_semaphore, #tpu.memory_space<semaphore_mem>>
    %dma_wait3A_369 = tpu.memref_squeeze %dma_wait3A_368 : memref<1x!tpu.dma_semaphore, #tpu.memory_space<semaphore_mem>> -> memref<!tpu.dma_semaphore, #tpu.memory_space<semaphore_mem>>
    %dma_wait3A_370 = arith.constant 0 : i32
    %dma_wait3A_371 = tpu.memref_slice %arg3[%add3A_359, %dma_wait3A_370] : memref<32768x1024xf32, #tpu.memory_space<hbm>> -> memref<56x1024xf32, #tpu.memory_space<hbm>>
    %dma_wait3A_372 = arith.constant 0 : i32
    %dma_wait3A_373 = arith.constant 0 : i32
    %dma_wait3A_374 = tpu.memref_slice %arg4[%dma_wait3A_360, %dma_wait3A_372, %dma_wait3A_373] : memref<2x56x1024xf32, #tpu.memory_space<vmem>> -> memref<1x56x1024xf32, #tpu.memory_space<vmem>>
    %dma_wait3A_375 = tpu.memref_squeeze %dma_wait3A_374 : memref<1x56x1024xf32, #tpu.memory_space<vmem>> -> memref<56x1024xf32, #tpu.memory_space<vmem>>
    tpu.wait_dma2 semaphore(%dma_wait3A_369 : memref<!tpu.dma_semaphore, #tpu.memory_space<semaphore_mem>>) src(%dma_wait3A_375 : memref<56x1024xf32, #tpu.memory_space<vmem>>) dst(%dma_wait3A_371 : memref<56x1024xf32, #tpu.memory_space<hbm>>)
    %add3A_376 = arith.constant 16384 : i32
    %add3A_377 = arith.addi %add3A_376, %add3A_7 : i32
    %add3A_378 = arith.constant 56 : i32
    %add3A_379 = arith.addi %add3A_377, %add3A_378 : i32
    %dma_wait3A_380 = arith.constant 1 : i32
    %dma_wait3A_381 = arith.constant 1 : i32
    %dma_wait3A_382 = arith.constant 0 : i32
    %dma_wait3A_383 = arith.constant 0 : i32
    %dma_wait3A_384 = tpu.memref_slice %arg4[%dma_wait3A_380, %dma_wait3A_382, %dma_wait3A_383] : memref<2x56x1024xf32, #tpu.memory_space<vmem>> -> memref<1x56x1024xf32, #tpu.memory_space<vmem>>
    %dma_wait3A_385 = tpu.memref_squeeze %dma_wait3A_384 : memref<1x56x1024xf32, #tpu.memory_space<vmem>> -> memref<56x1024xf32, #tpu.memory_space<vmem>>
    %dma_wait3A_386 = arith.constant 0 : i32
    %dma_wait3A_387 = tpu.memref_slice %arg3[%add3A_379, %dma_wait3A_386] : memref<32768x1024xf32, #tpu.memory_space<hbm>> -> memref<56x1024xf32, #tpu.memory_space<hbm>>
    %dma_wait3A_388 = tpu.memref_slice %arg6[%dma_wait3A_381] : memref<2x!tpu.dma_semaphore, #tpu.memory_space<semaphore_mem>> -> memref<1x!tpu.dma_semaphore, #tpu.memory_space<semaphore_mem>>
    %dma_wait3A_389 = tpu.memref_squeeze %dma_wait3A_388 : memref<1x!tpu.dma_semaphore, #tpu.memory_space<semaphore_mem>> -> memref<!tpu.dma_semaphore, #tpu.memory_space<semaphore_mem>>
    %dma_wait3A_390 = arith.constant 0 : i32
    %dma_wait3A_391 = tpu.memref_slice %arg3[%add3A_379, %dma_wait3A_390] : memref<32768x1024xf32, #tpu.memory_space<hbm>> -> memref<56x1024xf32, #tpu.memory_space<hbm>>
    %dma_wait3A_392 = arith.constant 0 : i32
    %dma_wait3A_393 = arith.constant 0 : i32
    %dma_wait3A_394 = tpu.memref_slice %arg4[%dma_wait3A_380, %dma_wait3A_392, %dma_wait3A_393] : memref<2x56x1024xf32, #tpu.memory_space<vmem>> -> memref<1x56x1024xf32, #tpu.memory_space<vmem>>
    %dma_wait3A_395 = tpu.memref_squeeze %dma_wait3A_394 : memref<1x56x1024xf32, #tpu.memory_space<vmem>> -> memref<56x1024xf32, #tpu.memory_space<vmem>>
    tpu.wait_dma2 semaphore(%dma_wait3A_389 : memref<!tpu.dma_semaphore, #tpu.memory_space<semaphore_mem>>) src(%dma_wait3A_395 : memref<56x1024xf32, #tpu.memory_space<vmem>>) dst(%dma_wait3A_391 : memref<56x1024xf32, #tpu.memory_space<hbm>>)
    %add3A_396 = arith.constant 24576 : i32
    %add3A_397 = arith.addi %add3A_396, %add3A_7 : i32
    %add3A_398 = arith.constant 56 : i32
    %add3A_399 = arith.addi %add3A_397, %add3A_398 : i32
    %dma_wait3A_400 = arith.constant 1 : i32
    %dma_wait3A_401 = arith.constant 1 : i32
    %dma_wait3A_402 = arith.constant 0 : i32
    %dma_wait3A_403 = arith.constant 0 : i32
    %dma_wait3A_404 = tpu.memref_slice %arg4[%dma_wait3A_400, %dma_wait3A_402, %dma_wait3A_403] : memref<2x56x1024xf32, #tpu.memory_space<vmem>> -> memref<1x56x1024xf32, #tpu.memory_space<vmem>>
    %dma_wait3A_405 = tpu.memref_squeeze %dma_wait3A_404 : memref<1x56x1024xf32, #tpu.memory_space<vmem>> -> memref<56x1024xf32, #tpu.memory_space<vmem>>
    %dma_wait3A_406 = arith.constant 0 : i32
    %dma_wait3A_407 = tpu.memref_slice %arg3[%add3A_399, %dma_wait3A_406] : memref<32768x1024xf32, #tpu.memory_space<hbm>> -> memref<56x1024xf32, #tpu.memory_space<hbm>>
    %dma_wait3A_408 = tpu.memref_slice %arg6[%dma_wait3A_401] : memref<2x!tpu.dma_semaphore, #tpu.memory_space<semaphore_mem>> -> memref<1x!tpu.dma_semaphore, #tpu.memory_space<semaphore_mem>>
    %dma_wait3A_409 = tpu.memref_squeeze %dma_wait3A_408 : memref<1x!tpu.dma_semaphore, #tpu.memory_space<semaphore_mem>> -> memref<!tpu.dma_semaphore, #tpu.memory_space<semaphore_mem>>
    %dma_wait3A_410 = arith.constant 0 : i32
    %dma_wait3A_411 = tpu.memref_slice %arg3[%add3A_399, %dma_wait3A_410] : memref<32768x1024xf32, #tpu.memory_space<hbm>> -> memref<56x1024xf32, #tpu.memory_space<hbm>>
    %dma_wait3A_412 = arith.constant 0 : i32
    %dma_wait3A_413 = arith.constant 0 : i32
    %dma_wait3A_414 = tpu.memref_slice %arg4[%dma_wait3A_400, %dma_wait3A_412, %dma_wait3A_413] : memref<2x56x1024xf32, #tpu.memory_space<vmem>> -> memref<1x56x1024xf32, #tpu.memory_space<vmem>>
    %dma_wait3A_415 = tpu.memref_squeeze %dma_wait3A_414 : memref<1x56x1024xf32, #tpu.memory_space<vmem>> -> memref<56x1024xf32, #tpu.memory_space<vmem>>
    tpu.wait_dma2 semaphore(%dma_wait3A_409 : memref<!tpu.dma_semaphore, #tpu.memory_space<semaphore_mem>>) src(%dma_wait3A_415 : memref<56x1024xf32, #tpu.memory_space<vmem>>) dst(%dma_wait3A_411 : memref<56x1024xf32, #tpu.memory_space<hbm>>)
    %add3A_416 = arith.constant 168 : i32
    %add3A_417 = arith.addi %add3A_7, %add3A_416 : i32
    %dma_start3A_418 = arith.constant 1 : i32
    %dma_start3A_419 = arith.constant 1 : i32
    %dma_start3A_420 = arith.constant 0 : i32
    %dma_start3A_421 = arith.constant 0 : i32
    %dma_start3A_422 = tpu.memref_slice %arg4[%dma_start3A_418, %dma_start3A_420, %dma_start3A_421] : memref<2x56x1024xf32, #tpu.memory_space<vmem>> -> memref<1x56x1024xf32, #tpu.memory_space<vmem>>
    %dma_start3A_423 = tpu.memref_squeeze %dma_start3A_422 : memref<1x56x1024xf32, #tpu.memory_space<vmem>> -> memref<56x1024xf32, #tpu.memory_space<vmem>>
    %dma_start3A_424 = arith.constant 0 : i32
    %dma_start3A_425 = tpu.memref_slice %arg2[%add3A_417, %dma_start3A_424] : memref<8192x1024xf32, #tpu.memory_space<hbm>> -> memref<56x1024xf32, #tpu.memory_space<hbm>>
    %dma_start3A_426 = tpu.memref_slice %arg5[%dma_start3A_419] : memref<2x!tpu.dma_semaphore, #tpu.memory_space<semaphore_mem>> -> memref<1x!tpu.dma_semaphore, #tpu.memory_space<semaphore_mem>>
    %dma_start3A_427 = tpu.memref_squeeze %dma_start3A_426 : memref<1x!tpu.dma_semaphore, #tpu.memory_space<semaphore_mem>> -> memref<!tpu.dma_semaphore, #tpu.memory_space<semaphore_mem>>
    %dma_start3A_428 = arith.constant 0 : i32
    %dma_start3A_429 = arith.constant 0 : i32
    %dma_start3A_430 = tpu.memref_slice %arg4[%dma_start3A_418, %dma_start3A_428, %dma_start3A_429] : memref<2x56x1024xf32, #tpu.memory_space<vmem>> -> memref<1x56x1024xf32, #tpu.memory_space<vmem>>
    %dma_start3A_431 = tpu.memref_squeeze %dma_start3A_430 : memref<1x56x1024xf32, #tpu.memory_space<vmem>> -> memref<56x1024xf32, #tpu.memory_space<vmem>>
    %dma_start3A_432 = arith.constant 0 : i32
    %dma_start3A_433 = tpu.memref_slice %arg2[%add3A_417, %dma_start3A_432] : memref<8192x1024xf32, #tpu.memory_space<hbm>> -> memref<56x1024xf32, #tpu.memory_space<hbm>>
    tpu.enqueue_dma source(%dma_start3A_433 : memref<56x1024xf32, #tpu.memory_space<hbm>>) target(%dma_start3A_431 : memref<56x1024xf32, #tpu.memory_space<vmem>>) target_semaphore(%dma_start3A_427 : memref<!tpu.dma_semaphore, #tpu.memory_space<semaphore_mem>>)
    %add3A_434 = arith.constant 112 : i32
    %add3A_435 = arith.addi %add3A_7, %add3A_434 : i32
    %dma_wait3A_436 = arith.constant 0 : i32
    %dma_wait3A_437 = arith.constant 0 : i32
    %dma_wait3A_438 = arith.constant 0 : i32
    %dma_wait3A_439 = arith.constant 0 : i32
    %dma_wait3A_440 = tpu.memref_slice %arg4[%dma_wait3A_436, %dma_wait3A_438, %dma_wait3A_439] : memref<2x56x1024xf32, #tpu.memory_space<vmem>> -> memref<1x56x1024xf32, #tpu.memory_space<vmem>>
    %dma_wait3A_441 = tpu.memref_squeeze %dma_wait3A_440 : memref<1x56x1024xf32, #tpu.memory_space<vmem>> -> memref<56x1024xf32, #tpu.memory_space<vmem>>
    %dma_wait3A_442 = arith.constant 0 : i32
    %dma_wait3A_443 = tpu.memref_slice %arg2[%add3A_435, %dma_wait3A_442] : memref<8192x1024xf32, #tpu.memory_space<hbm>> -> memref<56x1024xf32, #tpu.memory_space<hbm>>
    %dma_wait3A_444 = tpu.memref_slice %arg5[%dma_wait3A_437] : memref<2x!tpu.dma_semaphore, #tpu.memory_space<semaphore_mem>> -> memref<1x!tpu.dma_semaphore, #tpu.memory_space<semaphore_mem>>
    %dma_wait3A_445 = tpu.memref_squeeze %dma_wait3A_444 : memref<1x!tpu.dma_semaphore, #tpu.memory_space<semaphore_mem>> -> memref<!tpu.dma_semaphore, #tpu.memory_space<semaphore_mem>>
    %dma_wait3A_446 = arith.constant 0 : i32
    %dma_wait3A_447 = arith.constant 0 : i32
    %dma_wait3A_448 = tpu.memref_slice %arg4[%dma_wait3A_436, %dma_wait3A_446, %dma_wait3A_447] : memref<2x56x1024xf32, #tpu.memory_space<vmem>> -> memref<1x56x1024xf32, #tpu.memory_space<vmem>>
    %dma_wait3A_449 = tpu.memref_squeeze %dma_wait3A_448 : memref<1x56x1024xf32, #tpu.memory_space<vmem>> -> memref<56x1024xf32, #tpu.memory_space<vmem>>
    %dma_wait3A_450 = arith.constant 0 : i32
    %dma_wait3A_451 = tpu.memref_slice %arg2[%add3A_435, %dma_wait3A_450] : memref<8192x1024xf32, #tpu.memory_space<hbm>> -> memref<56x1024xf32, #tpu.memory_space<hbm>>
    tpu.wait_dma2 semaphore(%dma_wait3A_445 : memref<!tpu.dma_semaphore, #tpu.memory_space<semaphore_mem>>) src(%dma_wait3A_451 : memref<56x1024xf32, #tpu.memory_space<hbm>>) dst(%dma_wait3A_449 : memref<56x1024xf32, #tpu.memory_space<vmem>>)
    %add3A_452 = arith.constant 0 : i32
    %add3A_453 = arith.addi %add3A_452, %add3A_7 : i32
    %add3A_454 = arith.constant 112 : i32
    %add3A_455 = arith.addi %add3A_453, %add3A_454 : i32
    %dma_start3A_456 = arith.constant 0 : i32
    %dma_start3A_457 = arith.constant 0 : i32
    %dma_start3A_458 = arith.constant 0 : i32
    %dma_start3A_459 = arith.constant 0 : i32
    %dma_start3A_460 = tpu.memref_slice %arg4[%dma_start3A_456, %dma_start3A_458, %dma_start3A_459] : memref<2x56x1024xf32, #tpu.memory_space<vmem>> -> memref<1x56x1024xf32, #tpu.memory_space<vmem>>
    %dma_start3A_461 = tpu.memref_squeeze %dma_start3A_460 : memref<1x56x1024xf32, #tpu.memory_space<vmem>> -> memref<56x1024xf32, #tpu.memory_space<vmem>>
    %dma_start3A_462 = arith.constant 0 : i32
    %dma_start3A_463 = tpu.memref_slice %arg3[%add3A_455, %dma_start3A_462] : memref<32768x1024xf32, #tpu.memory_space<hbm>> -> memref<56x1024xf32, #tpu.memory_space<hbm>>
    %dma_start3A_464 = tpu.memref_slice %arg6[%dma_start3A_457] : memref<2x!tpu.dma_semaphore, #tpu.memory_space<semaphore_mem>> -> memref<1x!tpu.dma_semaphore, #tpu.memory_space<semaphore_mem>>
    %dma_start3A_465 = tpu.memref_squeeze %dma_start3A_464 : memref<1x!tpu.dma_semaphore, #tpu.memory_space<semaphore_mem>> -> memref<!tpu.dma_semaphore, #tpu.memory_space<semaphore_mem>>
    %dma_start3A_466 = arith.constant 0 : i32
    %dma_start3A_467 = tpu.memref_slice %arg3[%add3A_455, %dma_start3A_466] : memref<32768x1024xf32, #tpu.memory_space<hbm>> -> memref<56x1024xf32, #tpu.memory_space<hbm>>
    %dma_start3A_468 = arith.constant 0 : i32
    %dma_start3A_469 = arith.constant 0 : i32
    %dma_start3A_470 = tpu.memref_slice %arg4[%dma_start3A_456, %dma_start3A_468, %dma_start3A_469] : memref<2x56x1024xf32, #tpu.memory_space<vmem>> -> memref<1x56x1024xf32, #tpu.memory_space<vmem>>
    %dma_start3A_471 = tpu.memref_squeeze %dma_start3A_470 : memref<1x56x1024xf32, #tpu.memory_space<vmem>> -> memref<56x1024xf32, #tpu.memory_space<vmem>>
    tpu.enqueue_dma source(%dma_start3A_471 : memref<56x1024xf32, #tpu.memory_space<vmem>>) target(%dma_start3A_467 : memref<56x1024xf32, #tpu.memory_space<hbm>>) target_semaphore(%dma_start3A_465 : memref<!tpu.dma_semaphore, #tpu.memory_space<semaphore_mem>>)
    %add3A_472 = arith.constant 8192 : i32
    %add3A_473 = arith.addi %add3A_472, %add3A_7 : i32
    %add3A_474 = arith.constant 112 : i32
    %add3A_475 = arith.addi %add3A_473, %add3A_474 : i32
    %dma_start3A_476 = arith.constant 0 : i32
    %dma_start3A_477 = arith.constant 0 : i32
    %dma_start3A_478 = arith.constant 0 : i32
    %dma_start3A_479 = arith.constant 0 : i32
    %dma_start3A_480 = tpu.memref_slice %arg4[%dma_start3A_476, %dma_start3A_478, %dma_start3A_479] : memref<2x56x1024xf32, #tpu.memory_space<vmem>> -> memref<1x56x1024xf32, #tpu.memory_space<vmem>>
    %dma_start3A_481 = tpu.memref_squeeze %dma_start3A_480 : memref<1x56x1024xf32, #tpu.memory_space<vmem>> -> memref<56x1024xf32, #tpu.memory_space<vmem>>
    %dma_start3A_482 = arith.constant 0 : i32
    %dma_start3A_483 = tpu.memref_slice %arg3[%add3A_475, %dma_start3A_482] : memref<32768x1024xf32, #tpu.memory_space<hbm>> -> memref<56x1024xf32, #tpu.memory_space<hbm>>
    %dma_start3A_484 = tpu.memref_slice %arg6[%dma_start3A_477] : memref<2x!tpu.dma_semaphore, #tpu.memory_space<semaphore_mem>> -> memref<1x!tpu.dma_semaphore, #tpu.memory_space<semaphore_mem>>
    %dma_start3A_485 = tpu.memref_squeeze %dma_start3A_484 : memref<1x!tpu.dma_semaphore, #tpu.memory_space<semaphore_mem>> -> memref<!tpu.dma_semaphore, #tpu.memory_space<semaphore_mem>>
    %dma_start3A_486 = arith.constant 0 : i32
    %dma_start3A_487 = tpu.memref_slice %arg3[%add3A_475, %dma_start3A_486] : memref<32768x1024xf32, #tpu.memory_space<hbm>> -> memref<56x1024xf32, #tpu.memory_space<hbm>>
    %dma_start3A_488 = arith.constant 0 : i32
    %dma_start3A_489 = arith.constant 0 : i32
    %dma_start3A_490 = tpu.memref_slice %arg4[%dma_start3A_476, %dma_start3A_488, %dma_start3A_489] : memref<2x56x1024xf32, #tpu.memory_space<vmem>> -> memref<1x56x1024xf32, #tpu.memory_space<vmem>>
    %dma_start3A_491 = tpu.memref_squeeze %dma_start3A_490 : memref<1x56x1024xf32, #tpu.memory_space<vmem>> -> memref<56x1024xf32, #tpu.memory_space<vmem>>
    tpu.enqueue_dma source(%dma_start3A_491 : memref<56x1024xf32, #tpu.memory_space<vmem>>) target(%dma_start3A_487 : memref<56x1024xf32, #tpu.memory_space<hbm>>) target_semaphore(%dma_start3A_485 : memref<!tpu.dma_semaphore, #tpu.memory_space<semaphore_mem>>)
    %add3A_492 = arith.constant 16384 : i32
    %add3A_493 = arith.addi %add3A_492, %add3A_7 : i32
    %add3A_494 = arith.constant 112 : i32
    %add3A_495 = arith.addi %add3A_493, %add3A_494 : i32
    %dma_start3A_496 = arith.constant 0 : i32
    %dma_start3A_497 = arith.constant 0 : i32
    %dma_start3A_498 = arith.constant 0 : i32
    %dma_start3A_499 = arith.constant 0 : i32
    %dma_start3A_500 = tpu.memref_slice %arg4[%dma_start3A_496, %dma_start3A_498, %dma_start3A_499] : memref<2x56x1024xf32, #tpu.memory_space<vmem>> -> memref<1x56x1024xf32, #tpu.memory_space<vmem>>
    %dma_start3A_501 = tpu.memref_squeeze %dma_start3A_500 : memref<1x56x1024xf32, #tpu.memory_space<vmem>> -> memref<56x1024xf32, #tpu.memory_space<vmem>>
    %dma_start3A_502 = arith.constant 0 : i32
    %dma_start3A_503 = tpu.memref_slice %arg3[%add3A_495, %dma_start3A_502] : memref<32768x1024xf32, #tpu.memory_space<hbm>> -> memref<56x1024xf32, #tpu.memory_space<hbm>>
    %dma_start3A_504 = tpu.memref_slice %arg6[%dma_start3A_497] : memref<2x!tpu.dma_semaphore, #tpu.memory_space<semaphore_mem>> -> memref<1x!tpu.dma_semaphore, #tpu.memory_space<semaphore_mem>>
    %dma_start3A_505 = tpu.memref_squeeze %dma_start3A_504 : memref<1x!tpu.dma_semaphore, #tpu.memory_space<semaphore_mem>> -> memref<!tpu.dma_semaphore, #tpu.memory_space<semaphore_mem>>
    %dma_start3A_506 = arith.constant 0 : i32
    %dma_start3A_507 = tpu.memref_slice %arg3[%add3A_495, %dma_start3A_506] : memref<32768x1024xf32, #tpu.memory_space<hbm>> -> memref<56x1024xf32, #tpu.memory_space<hbm>>
    %dma_start3A_508 = arith.constant 0 : i32
    %dma_start3A_509 = arith.constant 0 : i32
    %dma_start3A_510 = tpu.memref_slice %arg4[%dma_start3A_496, %dma_start3A_508, %dma_start3A_509] : memref<2x56x1024xf32, #tpu.memory_space<vmem>> -> memref<1x56x1024xf32, #tpu.memory_space<vmem>>
    %dma_start3A_511 = tpu.memref_squeeze %dma_start3A_510 : memref<1x56x1024xf32, #tpu.memory_space<vmem>> -> memref<56x1024xf32, #tpu.memory_space<vmem>>
    tpu.enqueue_dma source(%dma_start3A_511 : memref<56x1024xf32, #tpu.memory_space<vmem>>) target(%dma_start3A_507 : memref<56x1024xf32, #tpu.memory_space<hbm>>) target_semaphore(%dma_start3A_505 : memref<!tpu.dma_semaphore, #tpu.memory_space<semaphore_mem>>)
    %add3A_512 = arith.constant 24576 : i32
    %add3A_513 = arith.addi %add3A_512, %add3A_7 : i32
    %add3A_514 = arith.constant 112 : i32
    %add3A_515 = arith.addi %add3A_513, %add3A_514 : i32
    %dma_start3A_516 = arith.constant 0 : i32
    %dma_start3A_517 = arith.constant 0 : i32
    %dma_start3A_518 = arith.constant 0 : i32
    %dma_start3A_519 = arith.constant 0 : i32
    %dma_start3A_520 = tpu.memref_slice %arg4[%dma_start3A_516, %dma_start3A_518, %dma_start3A_519] : memref<2x56x1024xf32, #tpu.memory_space<vmem>> -> memref<1x56x1024xf32, #tpu.memory_space<vmem>>
    %dma_start3A_521 = tpu.memref_squeeze %dma_start3A_520 : memref<1x56x1024xf32, #tpu.memory_space<vmem>> -> memref<56x1024xf32, #tpu.memory_space<vmem>>
    %dma_start3A_522 = arith.constant 0 : i32
    %dma_start3A_523 = tpu.memref_slice %arg3[%add3A_515, %dma_start3A_522] : memref<32768x1024xf32, #tpu.memory_space<hbm>> -> memref<56x1024xf32, #tpu.memory_space<hbm>>
    %dma_start3A_524 = tpu.memref_slice %arg6[%dma_start3A_517] : memref<2x!tpu.dma_semaphore, #tpu.memory_space<semaphore_mem>> -> memref<1x!tpu.dma_semaphore, #tpu.memory_space<semaphore_mem>>
    %dma_start3A_525 = tpu.memref_squeeze %dma_start3A_524 : memref<1x!tpu.dma_semaphore, #tpu.memory_space<semaphore_mem>> -> memref<!tpu.dma_semaphore, #tpu.memory_space<semaphore_mem>>
    %dma_start3A_526 = arith.constant 0 : i32
    %dma_start3A_527 = tpu.memref_slice %arg3[%add3A_515, %dma_start3A_526] : memref<32768x1024xf32, #tpu.memory_space<hbm>> -> memref<56x1024xf32, #tpu.memory_space<hbm>>
    %dma_start3A_528 = arith.constant 0 : i32
    %dma_start3A_529 = arith.constant 0 : i32
    %dma_start3A_530 = tpu.memref_slice %arg4[%dma_start3A_516, %dma_start3A_528, %dma_start3A_529] : memref<2x56x1024xf32, #tpu.memory_space<vmem>> -> memref<1x56x1024xf32, #tpu.memory_space<vmem>>
    %dma_start3A_531 = tpu.memref_squeeze %dma_start3A_530 : memref<1x56x1024xf32, #tpu.memory_space<vmem>> -> memref<56x1024xf32, #tpu.memory_space<vmem>>
    tpu.enqueue_dma source(%dma_start3A_531 : memref<56x1024xf32, #tpu.memory_space<vmem>>) target(%dma_start3A_527 : memref<56x1024xf32, #tpu.memory_space<hbm>>) target_semaphore(%dma_start3A_525 : memref<!tpu.dma_semaphore, #tpu.memory_space<semaphore_mem>>)
    %add3A_532 = arith.constant 0 : i32
    %add3A_533 = arith.addi %add3A_532, %add3A_7 : i32
    %add3A_534 = arith.constant 112 : i32
    %add3A_535 = arith.addi %add3A_533, %add3A_534 : i32
    %dma_wait3A_536 = arith.constant 0 : i32
    %dma_wait3A_537 = arith.constant 0 : i32
    %dma_wait3A_538 = arith.constant 0 : i32
    %dma_wait3A_539 = arith.constant 0 : i32
    %dma_wait3A_540 = tpu.memref_slice %arg4[%dma_wait3A_536, %dma_wait3A_538, %dma_wait3A_539] : memref<2x56x1024xf32, #tpu.memory_space<vmem>> -> memref<1x56x1024xf32, #tpu.memory_space<vmem>>
    %dma_wait3A_541 = tpu.memref_squeeze %dma_wait3A_540 : memref<1x56x1024xf32, #tpu.memory_space<vmem>> -> memref<56x1024xf32, #tpu.memory_space<vmem>>
    %dma_wait3A_542 = arith.constant 0 : i32
    %dma_wait3A_543 = tpu.memref_slice %arg3[%add3A_535, %dma_wait3A_542] : memref<32768x1024xf32, #tpu.memory_space<hbm>> -> memref<56x1024xf32, #tpu.memory_space<hbm>>
    %dma_wait3A_544 = tpu.memref_slice %arg6[%dma_wait3A_537] : memref<2x!tpu.dma_semaphore, #tpu.memory_space<semaphore_mem>> -> memref<1x!tpu.dma_semaphore, #tpu.memory_space<semaphore_mem>>
    %dma_wait3A_545 = tpu.memref_squeeze %dma_wait3A_544 : memref<1x!tpu.dma_semaphore, #tpu.memory_space<semaphore_mem>> -> memref<!tpu.dma_semaphore, #tpu.memory_space<semaphore_mem>>
    %dma_wait3A_546 = arith.constant 0 : i32
    %dma_wait3A_547 = tpu.memref_slice %arg3[%add3A_535, %dma_wait3A_546] : memref<32768x1024xf32, #tpu.memory_space<hbm>> -> memref<56x1024xf32, #tpu.memory_space<hbm>>
    %dma_wait3A_548 = arith.constant 0 : i32
    %dma_wait3A_549 = arith.constant 0 : i32
    %dma_wait3A_550 = tpu.memref_slice %arg4[%dma_wait3A_536, %dma_wait3A_548, %dma_wait3A_549] : memref<2x56x1024xf32, #tpu.memory_space<vmem>> -> memref<1x56x1024xf32, #tpu.memory_space<vmem>>
    %dma_wait3A_551 = tpu.memref_squeeze %dma_wait3A_550 : memref<1x56x1024xf32, #tpu.memory_space<vmem>> -> memref<56x1024xf32, #tpu.memory_space<vmem>>
    tpu.wait_dma2 semaphore(%dma_wait3A_545 : memref<!tpu.dma_semaphore, #tpu.memory_space<semaphore_mem>>) src(%dma_wait3A_551 : memref<56x1024xf32, #tpu.memory_space<vmem>>) dst(%dma_wait3A_547 : memref<56x1024xf32, #tpu.memory_space<hbm>>)
    %add3A_552 = arith.constant 8192 : i32
    %add3A_553 = arith.addi %add3A_552, %add3A_7 : i32
    %add3A_554 = arith.constant 112 : i32
    %add3A_555 = arith.addi %add3A_553, %add3A_554 : i32
    %dma_wait3A_556 = arith.constant 0 : i32
    %dma_wait3A_557 = arith.constant 0 : i32
    %dma_wait3A_558 = arith.constant 0 : i32
    %dma_wait3A_559 = arith.constant 0 : i32
    %dma_wait3A_560 = tpu.memref_slice %arg4[%dma_wait3A_556, %dma_wait3A_558, %dma_wait3A_559] : memref<2x56x1024xf32, #tpu.memory_space<vmem>> -> memref<1x56x1024xf32, #tpu.memory_space<vmem>>
    %dma_wait3A_561 = tpu.memref_squeeze %dma_wait3A_560 : memref<1x56x1024xf32, #tpu.memory_space<vmem>> -> memref<56x1024xf32, #tpu.memory_space<vmem>>
    %dma_wait3A_562 = arith.constant 0 : i32
    %dma_wait3A_563 = tpu.memref_slice %arg3[%add3A_555, %dma_wait3A_562] : memref<32768x1024xf32, #tpu.memory_space<hbm>> -> memref<56x1024xf32, #tpu.memory_space<hbm>>
    %dma_wait3A_564 = tpu.memref_slice %arg6[%dma_wait3A_557] : memref<2x!tpu.dma_semaphore, #tpu.memory_space<semaphore_mem>> -> memref<1x!tpu.dma_semaphore, #tpu.memory_space<semaphore_mem>>
    %dma_wait3A_565 = tpu.memref_squeeze %dma_wait3A_564 : memref<1x!tpu.dma_semaphore, #tpu.memory_space<semaphore_mem>> -> memref<!tpu.dma_semaphore, #tpu.memory_space<semaphore_mem>>
    %dma_wait3A_566 = arith.constant 0 : i32
    %dma_wait3A_567 = tpu.memref_slice %arg3[%add3A_555, %dma_wait3A_566] : memref<32768x1024xf32, #tpu.memory_space<hbm>> -> memref<56x1024xf32, #tpu.memory_space<hbm>>
    %dma_wait3A_568 = arith.constant 0 : i32
    %dma_wait3A_569 = arith.constant 0 : i32
    %dma_wait3A_570 = tpu.memref_slice %arg4[%dma_wait3A_556, %dma_wait3A_568, %dma_wait3A_569] : memref<2x56x1024xf32, #tpu.memory_space<vmem>> -> memref<1x56x1024xf32, #tpu.memory_space<vmem>>
    %dma_wait3A_571 = tpu.memref_squeeze %dma_wait3A_570 : memref<1x56x1024xf32, #tpu.memory_space<vmem>> -> memref<56x1024xf32, #tpu.memory_space<vmem>>
    tpu.wait_dma2 semaphore(%dma_wait3A_565 : memref<!tpu.dma_semaphore, #tpu.memory_space<semaphore_mem>>) src(%dma_wait3A_571 : memref<56x1024xf32, #tpu.memory_space<vmem>>) dst(%dma_wait3A_567 : memref<56x1024xf32, #tpu.memory_space<hbm>>)
    %add3A_572 = arith.constant 16384 : i32
    %add3A_573 = arith.addi %add3A_572, %add3A_7 : i32
    %add3A_574 = arith.constant 112 : i32
    %add3A_575 = arith.addi %add3A_573, %add3A_574 : i32
    %dma_wait3A_576 = arith.constant 0 : i32
    %dma_wait3A_577 = arith.constant 0 : i32
    %dma_wait3A_578 = arith.constant 0 : i32
    %dma_wait3A_579 = arith.constant 0 : i32
    %dma_wait3A_580 = tpu.memref_slice %arg4[%dma_wait3A_576, %dma_wait3A_578, %dma_wait3A_579] : memref<2x56x1024xf32, #tpu.memory_space<vmem>> -> memref<1x56x1024xf32, #tpu.memory_space<vmem>>
    %dma_wait3A_581 = tpu.memref_squeeze %dma_wait3A_580 : memref<1x56x1024xf32, #tpu.memory_space<vmem>> -> memref<56x1024xf32, #tpu.memory_space<vmem>>
    %dma_wait3A_582 = arith.constant 0 : i32
    %dma_wait3A_583 = tpu.memref_slice %arg3[%add3A_575, %dma_wait3A_582] : memref<32768x1024xf32, #tpu.memory_space<hbm>> -> memref<56x1024xf32, #tpu.memory_space<hbm>>
    %dma_wait3A_584 = tpu.memref_slice %arg6[%dma_wait3A_577] : memref<2x!tpu.dma_semaphore, #tpu.memory_space<semaphore_mem>> -> memref<1x!tpu.dma_semaphore, #tpu.memory_space<semaphore_mem>>
    %dma_wait3A_585 = tpu.memref_squeeze %dma_wait3A_584 : memref<1x!tpu.dma_semaphore, #tpu.memory_space<semaphore_mem>> -> memref<!tpu.dma_semaphore, #tpu.memory_space<semaphore_mem>>
    %dma_wait3A_586 = arith.constant 0 : i32
    %dma_wait3A_587 = tpu.memref_slice %arg3[%add3A_575, %dma_wait3A_586] : memref<32768x1024xf32, #tpu.memory_space<hbm>> -> memref<56x1024xf32, #tpu.memory_space<hbm>>
    %dma_wait3A_588 = arith.constant 0 : i32
    %dma_wait3A_589 = arith.constant 0 : i32
    %dma_wait3A_590 = tpu.memref_slice %arg4[%dma_wait3A_576, %dma_wait3A_588, %dma_wait3A_589] : memref<2x56x1024xf32, #tpu.memory_space<vmem>> -> memref<1x56x1024xf32, #tpu.memory_space<vmem>>
    %dma_wait3A_591 = tpu.memref_squeeze %dma_wait3A_590 : memref<1x56x1024xf32, #tpu.memory_space<vmem>> -> memref<56x1024xf32, #tpu.memory_space<vmem>>
    tpu.wait_dma2 semaphore(%dma_wait3A_585 : memref<!tpu.dma_semaphore, #tpu.memory_space<semaphore_mem>>) src(%dma_wait3A_591 : memref<56x1024xf32, #tpu.memory_space<vmem>>) dst(%dma_wait3A_587 : memref<56x1024xf32, #tpu.memory_space<hbm>>)
    %add3A_592 = arith.constant 24576 : i32
    %add3A_593 = arith.addi %add3A_592, %add3A_7 : i32
    %add3A_594 = arith.constant 112 : i32
    %add3A_595 = arith.addi %add3A_593, %add3A_594 : i32
    %dma_wait3A_596 = arith.constant 0 : i32
    %dma_wait3A_597 = arith.constant 0 : i32
    %dma_wait3A_598 = arith.constant 0 : i32
    %dma_wait3A_599 = arith.constant 0 : i32
    %dma_wait3A_600 = tpu.memref_slice %arg4[%dma_wait3A_596, %dma_wait3A_598, %dma_wait3A_599] : memref<2x56x1024xf32, #tpu.memory_space<vmem>> -> memref<1x56x1024xf32, #tpu.memory_space<vmem>>
    %dma_wait3A_601 = tpu.memref_squeeze %dma_wait3A_600 : memref<1x56x1024xf32, #tpu.memory_space<vmem>> -> memref<56x1024xf32, #tpu.memory_space<vmem>>
    %dma_wait3A_602 = arith.constant 0 : i32
    %dma_wait3A_603 = tpu.memref_slice %arg3[%add3A_595, %dma_wait3A_602] : memref<32768x1024xf32, #tpu.memory_space<hbm>> -> memref<56x1024xf32, #tpu.memory_space<hbm>>
    %dma_wait3A_604 = tpu.memref_slice %arg6[%dma_wait3A_597] : memref<2x!tpu.dma_semaphore, #tpu.memory_space<semaphore_mem>> -> memref<1x!tpu.dma_semaphore, #tpu.memory_space<semaphore_mem>>
    %dma_wait3A_605 = tpu.memref_squeeze %dma_wait3A_604 : memref<1x!tpu.dma_semaphore, #tpu.memory_space<semaphore_mem>> -> memref<!tpu.dma_semaphore, #tpu.memory_space<semaphore_mem>>
    %dma_wait3A_606 = arith.constant 0 : i32
    %dma_wait3A_607 = tpu.memref_slice %arg3[%add3A_595, %dma_wait3A_606] : memref<32768x1024xf32, #tpu.memory_space<hbm>> -> memref<56x1024xf32, #tpu.memory_space<hbm>>
    %dma_wait3A_608 = arith.constant 0 : i32
    %dma_wait3A_609 = arith.constant 0 : i32
    %dma_wait3A_610 = tpu.memref_slice %arg4[%dma_wait3A_596, %dma_wait3A_608, %dma_wait3A_609] : memref<2x56x1024xf32, #tpu.memory_space<vmem>> -> memref<1x56x1024xf32, #tpu.memory_space<vmem>>
    %dma_wait3A_611 = tpu.memref_squeeze %dma_wait3A_610 : memref<1x56x1024xf32, #tpu.memory_space<vmem>> -> memref<56x1024xf32, #tpu.memory_space<vmem>>
    tpu.wait_dma2 semaphore(%dma_wait3A_605 : memref<!tpu.dma_semaphore, #tpu.memory_space<semaphore_mem>>) src(%dma_wait3A_611 : memref<56x1024xf32, #tpu.memory_space<vmem>>) dst(%dma_wait3A_607 : memref<56x1024xf32, #tpu.memory_space<hbm>>)
    %add3A_612 = arith.constant 224 : i32
    %add3A_613 = arith.addi %add3A_7, %add3A_612 : i32
    %dma_start3A_614 = arith.constant 0 : i32
    %dma_start3A_615 = arith.constant 0 : i32
    %dma_start3A_616 = arith.constant 0 : i32
    %dma_start3A_617 = arith.constant 0 : i32
    %dma_start3A_618 = tpu.memref_slice %arg4[%dma_start3A_614, %dma_start3A_616, %dma_start3A_617] : memref<2x56x1024xf32, #tpu.memory_space<vmem>> -> memref<1x32x1024xf32, #tpu.memory_space<vmem>>
    %dma_start3A_619 = tpu.memref_squeeze %dma_start3A_618 : memref<1x32x1024xf32, #tpu.memory_space<vmem>> -> memref<32x1024xf32, #tpu.memory_space<vmem>>
    %dma_start3A_620 = arith.constant 0 : i32
    %dma_start3A_621 = tpu.memref_slice %arg2[%add3A_613, %dma_start3A_620] : memref<8192x1024xf32, #tpu.memory_space<hbm>> -> memref<32x1024xf32, #tpu.memory_space<hbm>>
    %dma_start3A_622 = tpu.memref_slice %arg5[%dma_start3A_615] : memref<2x!tpu.dma_semaphore, #tpu.memory_space<semaphore_mem>> -> memref<1x!tpu.dma_semaphore, #tpu.memory_space<semaphore_mem>>
    %dma_start3A_623 = tpu.memref_squeeze %dma_start3A_622 : memref<1x!tpu.dma_semaphore, #tpu.memory_space<semaphore_mem>> -> memref<!tpu.dma_semaphore, #tpu.memory_space<semaphore_mem>>
    %dma_start3A_624 = arith.constant 0 : i32
    %dma_start3A_625 = arith.constant 0 : i32
    %dma_start3A_626 = tpu.memref_slice %arg4[%dma_start3A_614, %dma_start3A_624, %dma_start3A_625] : memref<2x56x1024xf32, #tpu.memory_space<vmem>> -> memref<1x32x1024xf32, #tpu.memory_space<vmem>>
    %dma_start3A_627 = tpu.memref_squeeze %dma_start3A_626 : memref<1x32x1024xf32, #tpu.memory_space<vmem>> -> memref<32x1024xf32, #tpu.memory_space<vmem>>
    %dma_start3A_628 = arith.constant 0 : i32
    %dma_start3A_629 = tpu.memref_slice %arg2[%add3A_613, %dma_start3A_628] : memref<8192x1024xf32, #tpu.memory_space<hbm>> -> memref<32x1024xf32, #tpu.memory_space<hbm>>
    tpu.enqueue_dma source(%dma_start3A_629 : memref<32x1024xf32, #tpu.memory_space<hbm>>) target(%dma_start3A_627 : memref<32x1024xf32, #tpu.memory_space<vmem>>) target_semaphore(%dma_start3A_623 : memref<!tpu.dma_semaphore, #tpu.memory_space<semaphore_mem>>)
    %add3A_630 = arith.constant 168 : i32
    %add3A_631 = arith.addi %add3A_7, %add3A_630 : i32
    %dma_wait3A_632 = arith.constant 1 : i32
    %dma_wait3A_633 = arith.constant 1 : i32
    %dma_wait3A_634 = arith.constant 0 : i32
    %dma_wait3A_635 = arith.constant 0 : i32
    %dma_wait3A_636 = tpu.memref_slice %arg4[%dma_wait3A_632, %dma_wait3A_634, %dma_wait3A_635] : memref<2x56x1024xf32, #tpu.memory_space<vmem>> -> memref<1x56x1024xf32, #tpu.memory_space<vmem>>
    %dma_wait3A_637 = tpu.memref_squeeze %dma_wait3A_636 : memref<1x56x1024xf32, #tpu.memory_space<vmem>> -> memref<56x1024xf32, #tpu.memory_space<vmem>>
    %dma_wait3A_638 = arith.constant 0 : i32
    %dma_wait3A_639 = tpu.memref_slice %arg2[%add3A_631, %dma_wait3A_638] : memref<8192x1024xf32, #tpu.memory_space<hbm>> -> memref<56x1024xf32, #tpu.memory_space<hbm>>
    %dma_wait3A_640 = tpu.memref_slice %arg5[%dma_wait3A_633] : memref<2x!tpu.dma_semaphore, #tpu.memory_space<semaphore_mem>> -> memref<1x!tpu.dma_semaphore, #tpu.memory_space<semaphore_mem>>
    %dma_wait3A_641 = tpu.memref_squeeze %dma_wait3A_640 : memref<1x!tpu.dma_semaphore, #tpu.memory_space<semaphore_mem>> -> memref<!tpu.dma_semaphore, #tpu.memory_space<semaphore_mem>>
    %dma_wait3A_642 = arith.constant 0 : i32
    %dma_wait3A_643 = arith.constant 0 : i32
    %dma_wait3A_644 = tpu.memref_slice %arg4[%dma_wait3A_632, %dma_wait3A_642, %dma_wait3A_643] : memref<2x56x1024xf32, #tpu.memory_space<vmem>> -> memref<1x56x1024xf32, #tpu.memory_space<vmem>>
    %dma_wait3A_645 = tpu.memref_squeeze %dma_wait3A_644 : memref<1x56x1024xf32, #tpu.memory_space<vmem>> -> memref<56x1024xf32, #tpu.memory_space<vmem>>
    %dma_wait3A_646 = arith.constant 0 : i32
    %dma_wait3A_647 = tpu.memref_slice %arg2[%add3A_631, %dma_wait3A_646] : memref<8192x1024xf32, #tpu.memory_space<hbm>> -> memref<56x1024xf32, #tpu.memory_space<hbm>>
    tpu.wait_dma2 semaphore(%dma_wait3A_641 : memref<!tpu.dma_semaphore, #tpu.memory_space<semaphore_mem>>) src(%dma_wait3A_647 : memref<56x1024xf32, #tpu.memory_space<hbm>>) dst(%dma_wait3A_645 : memref<56x1024xf32, #tpu.memory_space<vmem>>)
    %add3A_648 = arith.constant 0 : i32
    %add3A_649 = arith.addi %add3A_648, %add3A_7 : i32
    %add3A_650 = arith.constant 168 : i32
    %add3A_651 = arith.addi %add3A_649, %add3A_650 : i32
    %dma_start3A_652 = arith.constant 1 : i32
    %dma_start3A_653 = arith.constant 1 : i32
    %dma_start3A_654 = arith.constant 0 : i32
    %dma_start3A_655 = arith.constant 0 : i32
    %dma_start3A_656 = tpu.memref_slice %arg4[%dma_start3A_652, %dma_start3A_654, %dma_start3A_655] : memref<2x56x1024xf32, #tpu.memory_space<vmem>> -> memref<1x56x1024xf32, #tpu.memory_space<vmem>>
    %dma_start3A_657 = tpu.memref_squeeze %dma_start3A_656 : memref<1x56x1024xf32, #tpu.memory_space<vmem>> -> memref<56x1024xf32, #tpu.memory_space<vmem>>
    %dma_start3A_658 = arith.constant 0 : i32
    %dma_start3A_659 = tpu.memref_slice %arg3[%add3A_651, %dma_start3A_658] : memref<32768x1024xf32, #tpu.memory_space<hbm>> -> memref<56x1024xf32, #tpu.memory_space<hbm>>
    %dma_start3A_660 = tpu.memref_slice %arg6[%dma_start3A_653] : memref<2x!tpu.dma_semaphore, #tpu.memory_space<semaphore_mem>> -> memref<1x!tpu.dma_semaphore, #tpu.memory_space<semaphore_mem>>
    %dma_start3A_661 = tpu.memref_squeeze %dma_start3A_660 : memref<1x!tpu.dma_semaphore, #tpu.memory_space<semaphore_mem>> -> memref<!tpu.dma_semaphore, #tpu.memory_space<semaphore_mem>>
    %dma_start3A_662 = arith.constant 0 : i32
    %dma_start3A_663 = tpu.memref_slice %arg3[%add3A_651, %dma_start3A_662] : memref<32768x1024xf32, #tpu.memory_space<hbm>> -> memref<56x1024xf32, #tpu.memory_space<hbm>>
    %dma_start3A_664 = arith.constant 0 : i32
    %dma_start3A_665 = arith.constant 0 : i32
    %dma_start3A_666 = tpu.memref_slice %arg4[%dma_start3A_652, %dma_start3A_664, %dma_start3A_665] : memref<2x56x1024xf32, #tpu.memory_space<vmem>> -> memref<1x56x1024xf32, #tpu.memory_space<vmem>>
    %dma_start3A_667 = tpu.memref_squeeze %dma_start3A_666 : memref<1x56x1024xf32, #tpu.memory_space<vmem>> -> memref<56x1024xf32, #tpu.memory_space<vmem>>
    tpu.enqueue_dma source(%dma_start3A_667 : memref<56x1024xf32, #tpu.memory_space<vmem>>) target(%dma_start3A_663 : memref<56x1024xf32, #tpu.memory_space<hbm>>) target_semaphore(%dma_start3A_661 : memref<!tpu.dma_semaphore, #tpu.memory_space<semaphore_mem>>)
    %add3A_668 = arith.constant 8192 : i32
    %add3A_669 = arith.addi %add3A_668, %add3A_7 : i32
    %add3A_670 = arith.constant 168 : i32
    %add3A_671 = arith.addi %add3A_669, %add3A_670 : i32
    %dma_start3A_672 = arith.constant 1 : i32
    %dma_start3A_673 = arith.constant 1 : i32
    %dma_start3A_674 = arith.constant 0 : i32
    %dma_start3A_675 = arith.constant 0 : i32
    %dma_start3A_676 = tpu.memref_slice %arg4[%dma_start3A_672, %dma_start3A_674, %dma_start3A_675] : memref<2x56x1024xf32, #tpu.memory_space<vmem>> -> memref<1x56x1024xf32, #tpu.memory_space<vmem>>
    %dma_start3A_677 = tpu.memref_squeeze %dma_start3A_676 : memref<1x56x1024xf32, #tpu.memory_space<vmem>> -> memref<56x1024xf32, #tpu.memory_space<vmem>>
    %dma_start3A_678 = arith.constant 0 : i32
    %dma_start3A_679 = tpu.memref_slice %arg3[%add3A_671, %dma_start3A_678] : memref<32768x1024xf32, #tpu.memory_space<hbm>> -> memref<56x1024xf32, #tpu.memory_space<hbm>>
    %dma_start3A_680 = tpu.memref_slice %arg6[%dma_start3A_673] : memref<2x!tpu.dma_semaphore, #tpu.memory_space<semaphore_mem>> -> memref<1x!tpu.dma_semaphore, #tpu.memory_space<semaphore_mem>>
    %dma_start3A_681 = tpu.memref_squeeze %dma_start3A_680 : memref<1x!tpu.dma_semaphore, #tpu.memory_space<semaphore_mem>> -> memref<!tpu.dma_semaphore, #tpu.memory_space<semaphore_mem>>
    %dma_start3A_682 = arith.constant 0 : i32
    %dma_start3A_683 = tpu.memref_slice %arg3[%add3A_671, %dma_start3A_682] : memref<32768x1024xf32, #tpu.memory_space<hbm>> -> memref<56x1024xf32, #tpu.memory_space<hbm>>
    %dma_start3A_684 = arith.constant 0 : i32
    %dma_start3A_685 = arith.constant 0 : i32
    %dma_start3A_686 = tpu.memref_slice %arg4[%dma_start3A_672, %dma_start3A_684, %dma_start3A_685] : memref<2x56x1024xf32, #tpu.memory_space<vmem>> -> memref<1x56x1024xf32, #tpu.memory_space<vmem>>
    %dma_start3A_687 = tpu.memref_squeeze %dma_start3A_686 : memref<1x56x1024xf32, #tpu.memory_space<vmem>> -> memref<56x1024xf32, #tpu.memory_space<vmem>>
    tpu.enqueue_dma source(%dma_start3A_687 : memref<56x1024xf32, #tpu.memory_space<vmem>>) target(%dma_start3A_683 : memref<56x1024xf32, #tpu.memory_space<hbm>>) target_semaphore(%dma_start3A_681 : memref<!tpu.dma_semaphore, #tpu.memory_space<semaphore_mem>>)
    %add3A_688 = arith.constant 16384 : i32
    %add3A_689 = arith.addi %add3A_688, %add3A_7 : i32
    %add3A_690 = arith.constant 168 : i32
    %add3A_691 = arith.addi %add3A_689, %add3A_690 : i32
    %dma_start3A_692 = arith.constant 1 : i32
    %dma_start3A_693 = arith.constant 1 : i32
    %dma_start3A_694 = arith.constant 0 : i32
    %dma_start3A_695 = arith.constant 0 : i32
    %dma_start3A_696 = tpu.memref_slice %arg4[%dma_start3A_692, %dma_start3A_694, %dma_start3A_695] : memref<2x56x1024xf32, #tpu.memory_space<vmem>> -> memref<1x56x1024xf32, #tpu.memory_space<vmem>>
    %dma_start3A_697 = tpu.memref_squeeze %dma_start3A_696 : memref<1x56x1024xf32, #tpu.memory_space<vmem>> -> memref<56x1024xf32, #tpu.memory_space<vmem>>
    %dma_start3A_698 = arith.constant 0 : i32
    %dma_start3A_699 = tpu.memref_slice %arg3[%add3A_691, %dma_start3A_698] : memref<32768x1024xf32, #tpu.memory_space<hbm>> -> memref<56x1024xf32, #tpu.memory_space<hbm>>
    %dma_start3A_700 = tpu.memref_slice %arg6[%dma_start3A_693] : memref<2x!tpu.dma_semaphore, #tpu.memory_space<semaphore_mem>> -> memref<1x!tpu.dma_semaphore, #tpu.memory_space<semaphore_mem>>
    %dma_start3A_701 = tpu.memref_squeeze %dma_start3A_700 : memref<1x!tpu.dma_semaphore, #tpu.memory_space<semaphore_mem>> -> memref<!tpu.dma_semaphore, #tpu.memory_space<semaphore_mem>>
    %dma_start3A_702 = arith.constant 0 : i32
    %dma_start3A_703 = tpu.memref_slice %arg3[%add3A_691, %dma_start3A_702] : memref<32768x1024xf32, #tpu.memory_space<hbm>> -> memref<56x1024xf32, #tpu.memory_space<hbm>>
    %dma_start3A_704 = arith.constant 0 : i32
    %dma_start3A_705 = arith.constant 0 : i32
    %dma_start3A_706 = tpu.memref_slice %arg4[%dma_start3A_692, %dma_start3A_704, %dma_start3A_705] : memref<2x56x1024xf32, #tpu.memory_space<vmem>> -> memref<1x56x1024xf32, #tpu.memory_space<vmem>>
    %dma_start3A_707 = tpu.memref_squeeze %dma_start3A_706 : memref<1x56x1024xf32, #tpu.memory_space<vmem>> -> memref<56x1024xf32, #tpu.memory_space<vmem>>
    tpu.enqueue_dma source(%dma_start3A_707 : memref<56x1024xf32, #tpu.memory_space<vmem>>) target(%dma_start3A_703 : memref<56x1024xf32, #tpu.memory_space<hbm>>) target_semaphore(%dma_start3A_701 : memref<!tpu.dma_semaphore, #tpu.memory_space<semaphore_mem>>)
    %add3A_708 = arith.constant 24576 : i32
    %add3A_709 = arith.addi %add3A_708, %add3A_7 : i32
    %add3A_710 = arith.constant 168 : i32
    %add3A_711 = arith.addi %add3A_709, %add3A_710 : i32
    %dma_start3A_712 = arith.constant 1 : i32
    %dma_start3A_713 = arith.constant 1 : i32
    %dma_start3A_714 = arith.constant 0 : i32
    %dma_start3A_715 = arith.constant 0 : i32
    %dma_start3A_716 = tpu.memref_slice %arg4[%dma_start3A_712, %dma_start3A_714, %dma_start3A_715] : memref<2x56x1024xf32, #tpu.memory_space<vmem>> -> memref<1x56x1024xf32, #tpu.memory_space<vmem>>
    %dma_start3A_717 = tpu.memref_squeeze %dma_start3A_716 : memref<1x56x1024xf32, #tpu.memory_space<vmem>> -> memref<56x1024xf32, #tpu.memory_space<vmem>>
    %dma_start3A_718 = arith.constant 0 : i32
    %dma_start3A_719 = tpu.memref_slice %arg3[%add3A_711, %dma_start3A_718] : memref<32768x1024xf32, #tpu.memory_space<hbm>> -> memref<56x1024xf32, #tpu.memory_space<hbm>>
    %dma_start3A_720 = tpu.memref_slice %arg6[%dma_start3A_713] : memref<2x!tpu.dma_semaphore, #tpu.memory_space<semaphore_mem>> -> memref<1x!tpu.dma_semaphore, #tpu.memory_space<semaphore_mem>>
    %dma_start3A_721 = tpu.memref_squeeze %dma_start3A_720 : memref<1x!tpu.dma_semaphore, #tpu.memory_space<semaphore_mem>> -> memref<!tpu.dma_semaphore, #tpu.memory_space<semaphore_mem>>
    %dma_start3A_722 = arith.constant 0 : i32
    %dma_start3A_723 = tpu.memref_slice %arg3[%add3A_711, %dma_start3A_722] : memref<32768x1024xf32, #tpu.memory_space<hbm>> -> memref<56x1024xf32, #tpu.memory_space<hbm>>
    %dma_start3A_724 = arith.constant 0 : i32
    %dma_start3A_725 = arith.constant 0 : i32
    %dma_start3A_726 = tpu.memref_slice %arg4[%dma_start3A_712, %dma_start3A_724, %dma_start3A_725] : memref<2x56x1024xf32, #tpu.memory_space<vmem>> -> memref<1x56x1024xf32, #tpu.memory_space<vmem>>
    %dma_start3A_727 = tpu.memref_squeeze %dma_start3A_726 : memref<1x56x1024xf32, #tpu.memory_space<vmem>> -> memref<56x1024xf32, #tpu.memory_space<vmem>>
    tpu.enqueue_dma source(%dma_start3A_727 : memref<56x1024xf32, #tpu.memory_space<vmem>>) target(%dma_start3A_723 : memref<56x1024xf32, #tpu.memory_space<hbm>>) target_semaphore(%dma_start3A_721 : memref<!tpu.dma_semaphore, #tpu.memory_space<semaphore_mem>>)
    %add3A_728 = arith.constant 224 : i32
    %add3A_729 = arith.addi %add3A_7, %add3A_728 : i32
    %dma_wait3A_730 = arith.constant 0 : i32
    %dma_wait3A_731 = arith.constant 0 : i32
    %dma_wait3A_732 = arith.constant 0 : i32
    %dma_wait3A_733 = arith.constant 0 : i32
    %dma_wait3A_734 = tpu.memref_slice %arg4[%dma_wait3A_730, %dma_wait3A_732, %dma_wait3A_733] : memref<2x56x1024xf32, #tpu.memory_space<vmem>> -> memref<1x32x1024xf32, #tpu.memory_space<vmem>>
    %dma_wait3A_735 = tpu.memref_squeeze %dma_wait3A_734 : memref<1x32x1024xf32, #tpu.memory_space<vmem>> -> memref<32x1024xf32, #tpu.memory_space<vmem>>
    %dma_wait3A_736 = arith.constant 0 : i32
    %dma_wait3A_737 = tpu.memref_slice %arg2[%add3A_729, %dma_wait3A_736] : memref<8192x1024xf32, #tpu.memory_space<hbm>> -> memref<32x1024xf32, #tpu.memory_space<hbm>>
    %dma_wait3A_738 = tpu.memref_slice %arg5[%dma_wait3A_731] : memref<2x!tpu.dma_semaphore, #tpu.memory_space<semaphore_mem>> -> memref<1x!tpu.dma_semaphore, #tpu.memory_space<semaphore_mem>>
    %dma_wait3A_739 = tpu.memref_squeeze %dma_wait3A_738 : memref<1x!tpu.dma_semaphore, #tpu.memory_space<semaphore_mem>> -> memref<!tpu.dma_semaphore, #tpu.memory_space<semaphore_mem>>
    %dma_wait3A_740 = arith.constant 0 : i32
    %dma_wait3A_741 = arith.constant 0 : i32
    %dma_wait3A_742 = tpu.memref_slice %arg4[%dma_wait3A_730, %dma_wait3A_740, %dma_wait3A_741] : memref<2x56x1024xf32, #tpu.memory_space<vmem>> -> memref<1x32x1024xf32, #tpu.memory_space<vmem>>
    %dma_wait3A_743 = tpu.memref_squeeze %dma_wait3A_742 : memref<1x32x1024xf32, #tpu.memory_space<vmem>> -> memref<32x1024xf32, #tpu.memory_space<vmem>>
    %dma_wait3A_744 = arith.constant 0 : i32
    %dma_wait3A_745 = tpu.memref_slice %arg2[%add3A_729, %dma_wait3A_744] : memref<8192x1024xf32, #tpu.memory_space<hbm>> -> memref<32x1024xf32, #tpu.memory_space<hbm>>
    tpu.wait_dma2 semaphore(%dma_wait3A_739 : memref<!tpu.dma_semaphore, #tpu.memory_space<semaphore_mem>>) src(%dma_wait3A_745 : memref<32x1024xf32, #tpu.memory_space<hbm>>) dst(%dma_wait3A_743 : memref<32x1024xf32, #tpu.memory_space<vmem>>)
    %add3A_746 = arith.constant 0 : i32
    %add3A_747 = arith.addi %add3A_746, %add3A_7 : i32
    %add3A_748 = arith.constant 224 : i32
    %add3A_749 = arith.addi %add3A_747, %add3A_748 : i32
    %dma_start3A_750 = arith.constant 0 : i32
    %dma_start3A_751 = arith.constant 0 : i32
    %dma_start3A_752 = arith.constant 0 : i32
    %dma_start3A_753 = arith.constant 0 : i32
    %dma_start3A_754 = tpu.memref_slice %arg4[%dma_start3A_750, %dma_start3A_752, %dma_start3A_753] : memref<2x56x1024xf32, #tpu.memory_space<vmem>> -> memref<1x32x1024xf32, #tpu.memory_space<vmem>>
    %dma_start3A_755 = tpu.memref_squeeze %dma_start3A_754 : memref<1x32x1024xf32, #tpu.memory_space<vmem>> -> memref<32x1024xf32, #tpu.memory_space<vmem>>
    %dma_start3A_756 = arith.constant 0 : i32
    %dma_start3A_757 = tpu.memref_slice %arg3[%add3A_749, %dma_start3A_756] : memref<32768x1024xf32, #tpu.memory_space<hbm>> -> memref<32x1024xf32, #tpu.memory_space<hbm>>
    %dma_start3A_758 = tpu.memref_slice %arg6[%dma_start3A_751] : memref<2x!tpu.dma_semaphore, #tpu.memory_space<semaphore_mem>> -> memref<1x!tpu.dma_semaphore, #tpu.memory_space<semaphore_mem>>
    %dma_start3A_759 = tpu.memref_squeeze %dma_start3A_758 : memref<1x!tpu.dma_semaphore, #tpu.memory_space<semaphore_mem>> -> memref<!tpu.dma_semaphore, #tpu.memory_space<semaphore_mem>>
    %dma_start3A_760 = arith.constant 0 : i32
    %dma_start3A_761 = tpu.memref_slice %arg3[%add3A_749, %dma_start3A_760] : memref<32768x1024xf32, #tpu.memory_space<hbm>> -> memref<32x1024xf32, #tpu.memory_space<hbm>>
    %dma_start3A_762 = arith.constant 0 : i32
    %dma_start3A_763 = arith.constant 0 : i32
    %dma_start3A_764 = tpu.memref_slice %arg4[%dma_start3A_750, %dma_start3A_762, %dma_start3A_763] : memref<2x56x1024xf32, #tpu.memory_space<vmem>> -> memref<1x32x1024xf32, #tpu.memory_space<vmem>>
    %dma_start3A_765 = tpu.memref_squeeze %dma_start3A_764 : memref<1x32x1024xf32, #tpu.memory_space<vmem>> -> memref<32x1024xf32, #tpu.memory_space<vmem>>
    tpu.enqueue_dma source(%dma_start3A_765 : memref<32x1024xf32, #tpu.memory_space<vmem>>) target(%dma_start3A_761 : memref<32x1024xf32, #tpu.memory_space<hbm>>) target_semaphore(%dma_start3A_759 : memref<!tpu.dma_semaphore, #tpu.memory_space<semaphore_mem>>)
    %add3A_766 = arith.constant 8192 : i32
    %add3A_767 = arith.addi %add3A_766, %add3A_7 : i32
    %add3A_768 = arith.constant 224 : i32
    %add3A_769 = arith.addi %add3A_767, %add3A_768 : i32
    %dma_start3A_770 = arith.constant 0 : i32
    %dma_start3A_771 = arith.constant 0 : i32
    %dma_start3A_772 = arith.constant 0 : i32
    %dma_start3A_773 = arith.constant 0 : i32
    %dma_start3A_774 = tpu.memref_slice %arg4[%dma_start3A_770, %dma_start3A_772, %dma_start3A_773] : memref<2x56x1024xf32, #tpu.memory_space<vmem>> -> memref<1x32x1024xf32, #tpu.memory_space<vmem>>
    %dma_start3A_775 = tpu.memref_squeeze %dma_start3A_774 : memref<1x32x1024xf32, #tpu.memory_space<vmem>> -> memref<32x1024xf32, #tpu.memory_space<vmem>>
    %dma_start3A_776 = arith.constant 0 : i32
    %dma_start3A_777 = tpu.memref_slice %arg3[%add3A_769, %dma_start3A_776] : memref<32768x1024xf32, #tpu.memory_space<hbm>> -> memref<32x1024xf32, #tpu.memory_space<hbm>>
    %dma_start3A_778 = tpu.memref_slice %arg6[%dma_start3A_771] : memref<2x!tpu.dma_semaphore, #tpu.memory_space<semaphore_mem>> -> memref<1x!tpu.dma_semaphore, #tpu.memory_space<semaphore_mem>>
    %dma_start3A_779 = tpu.memref_squeeze %dma_start3A_778 : memref<1x!tpu.dma_semaphore, #tpu.memory_space<semaphore_mem>> -> memref<!tpu.dma_semaphore, #tpu.memory_space<semaphore_mem>>
    %dma_start3A_780 = arith.constant 0 : i32
    %dma_start3A_781 = tpu.memref_slice %arg3[%add3A_769, %dma_start3A_780] : memref<32768x1024xf32, #tpu.memory_space<hbm>> -> memref<32x1024xf32, #tpu.memory_space<hbm>>
    %dma_start3A_782 = arith.constant 0 : i32
    %dma_start3A_783 = arith.constant 0 : i32
    %dma_start3A_784 = tpu.memref_slice %arg4[%dma_start3A_770, %dma_start3A_782, %dma_start3A_783] : memref<2x56x1024xf32, #tpu.memory_space<vmem>> -> memref<1x32x1024xf32, #tpu.memory_space<vmem>>
    %dma_start3A_785 = tpu.memref_squeeze %dma_start3A_784 : memref<1x32x1024xf32, #tpu.memory_space<vmem>> -> memref<32x1024xf32, #tpu.memory_space<vmem>>
    tpu.enqueue_dma source(%dma_start3A_785 : memref<32x1024xf32, #tpu.memory_space<vmem>>) target(%dma_start3A_781 : memref<32x1024xf32, #tpu.memory_space<hbm>>) target_semaphore(%dma_start3A_779 : memref<!tpu.dma_semaphore, #tpu.memory_space<semaphore_mem>>)
    %add3A_786 = arith.constant 16384 : i32
    %add3A_787 = arith.addi %add3A_786, %add3A_7 : i32
    %add3A_788 = arith.constant 224 : i32
    %add3A_789 = arith.addi %add3A_787, %add3A_788 : i32
    %dma_start3A_790 = arith.constant 0 : i32
    %dma_start3A_791 = arith.constant 0 : i32
    %dma_start3A_792 = arith.constant 0 : i32
    %dma_start3A_793 = arith.constant 0 : i32
    %dma_start3A_794 = tpu.memref_slice %arg4[%dma_start3A_790, %dma_start3A_792, %dma_start3A_793] : memref<2x56x1024xf32, #tpu.memory_space<vmem>> -> memref<1x32x1024xf32, #tpu.memory_space<vmem>>
    %dma_start3A_795 = tpu.memref_squeeze %dma_start3A_794 : memref<1x32x1024xf32, #tpu.memory_space<vmem>> -> memref<32x1024xf32, #tpu.memory_space<vmem>>
    %dma_start3A_796 = arith.constant 0 : i32
    %dma_start3A_797 = tpu.memref_slice %arg3[%add3A_789, %dma_start3A_796] : memref<32768x1024xf32, #tpu.memory_space<hbm>> -> memref<32x1024xf32, #tpu.memory_space<hbm>>
    %dma_start3A_798 = tpu.memref_slice %arg6[%dma_start3A_791] : memref<2x!tpu.dma_semaphore, #tpu.memory_space<semaphore_mem>> -> memref<1x!tpu.dma_semaphore, #tpu.memory_space<semaphore_mem>>
    %dma_start3A_799 = tpu.memref_squeeze %dma_start3A_798 : memref<1x!tpu.dma_semaphore, #tpu.memory_space<semaphore_mem>> -> memref<!tpu.dma_semaphore, #tpu.memory_space<semaphore_mem>>
    %dma_start3A_800 = arith.constant 0 : i32
    %dma_start3A_801 = tpu.memref_slice %arg3[%add3A_789, %dma_start3A_800] : memref<32768x1024xf32, #tpu.memory_space<hbm>> -> memref<32x1024xf32, #tpu.memory_space<hbm>>
    %dma_start3A_802 = arith.constant 0 : i32
    %dma_start3A_803 = arith.constant 0 : i32
    %dma_start3A_804 = tpu.memref_slice %arg4[%dma_start3A_790, %dma_start3A_802, %dma_start3A_803] : memref<2x56x1024xf32, #tpu.memory_space<vmem>> -> memref<1x32x1024xf32, #tpu.memory_space<vmem>>
    %dma_start3A_805 = tpu.memref_squeeze %dma_start3A_804 : memref<1x32x1024xf32, #tpu.memory_space<vmem>> -> memref<32x1024xf32, #tpu.memory_space<vmem>>
    tpu.enqueue_dma source(%dma_start3A_805 : memref<32x1024xf32, #tpu.memory_space<vmem>>) target(%dma_start3A_801 : memref<32x1024xf32, #tpu.memory_space<hbm>>) target_semaphore(%dma_start3A_799 : memref<!tpu.dma_semaphore, #tpu.memory_space<semaphore_mem>>)
    %add3A_806 = arith.constant 24576 : i32
    %add3A_807 = arith.addi %add3A_806, %add3A_7 : i32
    %add3A_808 = arith.constant 224 : i32
    %add3A_809 = arith.addi %add3A_807, %add3A_808 : i32
    %dma_start3A_810 = arith.constant 0 : i32
    %dma_start3A_811 = arith.constant 0 : i32
    %dma_start3A_812 = arith.constant 0 : i32
    %dma_start3A_813 = arith.constant 0 : i32
    %dma_start3A_814 = tpu.memref_slice %arg4[%dma_start3A_810, %dma_start3A_812, %dma_start3A_813] : memref<2x56x1024xf32, #tpu.memory_space<vmem>> -> memref<1x32x1024xf32, #tpu.memory_space<vmem>>
    %dma_start3A_815 = tpu.memref_squeeze %dma_start3A_814 : memref<1x32x1024xf32, #tpu.memory_space<vmem>> -> memref<32x1024xf32, #tpu.memory_space<vmem>>
    %dma_start3A_816 = arith.constant 0 : i32
    %dma_start3A_817 = tpu.memref_slice %arg3[%add3A_809, %dma_start3A_816] : memref<32768x1024xf32, #tpu.memory_space<hbm>> -> memref<32x1024xf32, #tpu.memory_space<hbm>>
    %dma_start3A_818 = tpu.memref_slice %arg6[%dma_start3A_811] : memref<2x!tpu.dma_semaphore, #tpu.memory_space<semaphore_mem>> -> memref<1x!tpu.dma_semaphore, #tpu.memory_space<semaphore_mem>>
    %dma_start3A_819 = tpu.memref_squeeze %dma_start3A_818 : memref<1x!tpu.dma_semaphore, #tpu.memory_space<semaphore_mem>> -> memref<!tpu.dma_semaphore, #tpu.memory_space<semaphore_mem>>
    %dma_start3A_820 = arith.constant 0 : i32
    %dma_start3A_821 = tpu.memref_slice %arg3[%add3A_809, %dma_start3A_820] : memref<32768x1024xf32, #tpu.memory_space<hbm>> -> memref<32x1024xf32, #tpu.memory_space<hbm>>
    %dma_start3A_822 = arith.constant 0 : i32
    %dma_start3A_823 = arith.constant 0 : i32
    %dma_start3A_824 = tpu.memref_slice %arg4[%dma_start3A_810, %dma_start3A_822, %dma_start3A_823] : memref<2x56x1024xf32, #tpu.memory_space<vmem>> -> memref<1x32x1024xf32, #tpu.memory_space<vmem>>
    %dma_start3A_825 = tpu.memref_squeeze %dma_start3A_824 : memref<1x32x1024xf32, #tpu.memory_space<vmem>> -> memref<32x1024xf32, #tpu.memory_space<vmem>>
    tpu.enqueue_dma source(%dma_start3A_825 : memref<32x1024xf32, #tpu.memory_space<vmem>>) target(%dma_start3A_821 : memref<32x1024xf32, #tpu.memory_space<hbm>>) target_semaphore(%dma_start3A_819 : memref<!tpu.dma_semaphore, #tpu.memory_space<semaphore_mem>>)
    %add3A_826 = arith.constant 0 : i32
    %add3A_827 = arith.addi %add3A_826, %add3A_7 : i32
    %add3A_828 = arith.constant 168 : i32
    %add3A_829 = arith.addi %add3A_827, %add3A_828 : i32
    %dma_wait3A_830 = arith.constant 1 : i32
    %dma_wait3A_831 = arith.constant 1 : i32
    %dma_wait3A_832 = arith.constant 0 : i32
    %dma_wait3A_833 = arith.constant 0 : i32
    %dma_wait3A_834 = tpu.memref_slice %arg4[%dma_wait3A_830, %dma_wait3A_832, %dma_wait3A_833] : memref<2x56x1024xf32, #tpu.memory_space<vmem>> -> memref<1x56x1024xf32, #tpu.memory_space<vmem>>
    %dma_wait3A_835 = tpu.memref_squeeze %dma_wait3A_834 : memref<1x56x1024xf32, #tpu.memory_space<vmem>> -> memref<56x1024xf32, #tpu.memory_space<vmem>>
    %dma_wait3A_836 = arith.constant 0 : i32
    %dma_wait3A_837 = tpu.memref_slice %arg3[%add3A_829, %dma_wait3A_836] : memref<32768x1024xf32, #tpu.memory_space<hbm>> -> memref<56x1024xf32, #tpu.memory_space<hbm>>
    %dma_wait3A_838 = tpu.memref_slice %arg6[%dma_wait3A_831] : memref<2x!tpu.dma_semaphore, #tpu.memory_space<semaphore_mem>> -> memref<1x!tpu.dma_semaphore, #tpu.memory_space<semaphore_mem>>
    %dma_wait3A_839 = tpu.memref_squeeze %dma_wait3A_838 : memref<1x!tpu.dma_semaphore, #tpu.memory_space<semaphore_mem>> -> memref<!tpu.dma_semaphore, #tpu.memory_space<semaphore_mem>>
    %dma_wait3A_840 = arith.constant 0 : i32
    %dma_wait3A_841 = tpu.memref_slice %arg3[%add3A_829, %dma_wait3A_840] : memref<32768x1024xf32, #tpu.memory_space<hbm>> -> memref<56x1024xf32, #tpu.memory_space<hbm>>
    %dma_wait3A_842 = arith.constant 0 : i32
    %dma_wait3A_843 = arith.constant 0 : i32
    %dma_wait3A_844 = tpu.memref_slice %arg4[%dma_wait3A_830, %dma_wait3A_842, %dma_wait3A_843] : memref<2x56x1024xf32, #tpu.memory_space<vmem>> -> memref<1x56x1024xf32, #tpu.memory_space<vmem>>
    %dma_wait3A_845 = tpu.memref_squeeze %dma_wait3A_844 : memref<1x56x1024xf32, #tpu.memory_space<vmem>> -> memref<56x1024xf32, #tpu.memory_space<vmem>>
    tpu.wait_dma2 semaphore(%dma_wait3A_839 : memref<!tpu.dma_semaphore, #tpu.memory_space<semaphore_mem>>) src(%dma_wait3A_845 : memref<56x1024xf32, #tpu.memory_space<vmem>>) dst(%dma_wait3A_841 : memref<56x1024xf32, #tpu.memory_space<hbm>>)
    %add3A_846 = arith.constant 8192 : i32
    %add3A_847 = arith.addi %add3A_846, %add3A_7 : i32
    %add3A_848 = arith.constant 168 : i32
    %add3A_849 = arith.addi %add3A_847, %add3A_848 : i32
    %dma_wait3A_850 = arith.constant 1 : i32
    %dma_wait3A_851 = arith.constant 1 : i32
    %dma_wait3A_852 = arith.constant 0 : i32
    %dma_wait3A_853 = arith.constant 0 : i32
    %dma_wait3A_854 = tpu.memref_slice %arg4[%dma_wait3A_850, %dma_wait3A_852, %dma_wait3A_853] : memref<2x56x1024xf32, #tpu.memory_space<vmem>> -> memref<1x56x1024xf32, #tpu.memory_space<vmem>>
    %dma_wait3A_855 = tpu.memref_squeeze %dma_wait3A_854 : memref<1x56x1024xf32, #tpu.memory_space<vmem>> -> memref<56x1024xf32, #tpu.memory_space<vmem>>
    %dma_wait3A_856 = arith.constant 0 : i32
    %dma_wait3A_857 = tpu.memref_slice %arg3[%add3A_849, %dma_wait3A_856] : memref<32768x1024xf32, #tpu.memory_space<hbm>> -> memref<56x1024xf32, #tpu.memory_space<hbm>>
    %dma_wait3A_858 = tpu.memref_slice %arg6[%dma_wait3A_851] : memref<2x!tpu.dma_semaphore, #tpu.memory_space<semaphore_mem>> -> memref<1x!tpu.dma_semaphore, #tpu.memory_space<semaphore_mem>>
    %dma_wait3A_859 = tpu.memref_squeeze %dma_wait3A_858 : memref<1x!tpu.dma_semaphore, #tpu.memory_space<semaphore_mem>> -> memref<!tpu.dma_semaphore, #tpu.memory_space<semaphore_mem>>
    %dma_wait3A_860 = arith.constant 0 : i32
    %dma_wait3A_861 = tpu.memref_slice %arg3[%add3A_849, %dma_wait3A_860] : memref<32768x1024xf32, #tpu.memory_space<hbm>> -> memref<56x1024xf32, #tpu.memory_space<hbm>>
    %dma_wait3A_862 = arith.constant 0 : i32
    %dma_wait3A_863 = arith.constant 0 : i32
    %dma_wait3A_864 = tpu.memref_slice %arg4[%dma_wait3A_850, %dma_wait3A_862, %dma_wait3A_863] : memref<2x56x1024xf32, #tpu.memory_space<vmem>> -> memref<1x56x1024xf32, #tpu.memory_space<vmem>>
    %dma_wait3A_865 = tpu.memref_squeeze %dma_wait3A_864 : memref<1x56x1024xf32, #tpu.memory_space<vmem>> -> memref<56x1024xf32, #tpu.memory_space<vmem>>
    tpu.wait_dma2 semaphore(%dma_wait3A_859 : memref<!tpu.dma_semaphore, #tpu.memory_space<semaphore_mem>>) src(%dma_wait3A_865 : memref<56x1024xf32, #tpu.memory_space<vmem>>) dst(%dma_wait3A_861 : memref<56x1024xf32, #tpu.memory_space<hbm>>)
    %add3A_866 = arith.constant 16384 : i32
    %add3A_867 = arith.addi %add3A_866, %add3A_7 : i32
    %add3A_868 = arith.constant 168 : i32
    %add3A_869 = arith.addi %add3A_867, %add3A_868 : i32
    %dma_wait3A_870 = arith.constant 1 : i32
    %dma_wait3A_871 = arith.constant 1 : i32
    %dma_wait3A_872 = arith.constant 0 : i32
    %dma_wait3A_873 = arith.constant 0 : i32
    %dma_wait3A_874 = tpu.memref_slice %arg4[%dma_wait3A_870, %dma_wait3A_872, %dma_wait3A_873] : memref<2x56x1024xf32, #tpu.memory_space<vmem>> -> memref<1x56x1024xf32, #tpu.memory_space<vmem>>
    %dma_wait3A_875 = tpu.memref_squeeze %dma_wait3A_874 : memref<1x56x1024xf32, #tpu.memory_space<vmem>> -> memref<56x1024xf32, #tpu.memory_space<vmem>>
    %dma_wait3A_876 = arith.constant 0 : i32
    %dma_wait3A_877 = tpu.memref_slice %arg3[%add3A_869, %dma_wait3A_876] : memref<32768x1024xf32, #tpu.memory_space<hbm>> -> memref<56x1024xf32, #tpu.memory_space<hbm>>
    %dma_wait3A_878 = tpu.memref_slice %arg6[%dma_wait3A_871] : memref<2x!tpu.dma_semaphore, #tpu.memory_space<semaphore_mem>> -> memref<1x!tpu.dma_semaphore, #tpu.memory_space<semaphore_mem>>
    %dma_wait3A_879 = tpu.memref_squeeze %dma_wait3A_878 : memref<1x!tpu.dma_semaphore, #tpu.memory_space<semaphore_mem>> -> memref<!tpu.dma_semaphore, #tpu.memory_space<semaphore_mem>>
    %dma_wait3A_880 = arith.constant 0 : i32
    %dma_wait3A_881 = tpu.memref_slice %arg3[%add3A_869, %dma_wait3A_880] : memref<32768x1024xf32, #tpu.memory_space<hbm>> -> memref<56x1024xf32, #tpu.memory_space<hbm>>
    %dma_wait3A_882 = arith.constant 0 : i32
    %dma_wait3A_883 = arith.constant 0 : i32
    %dma_wait3A_884 = tpu.memref_slice %arg4[%dma_wait3A_870, %dma_wait3A_882, %dma_wait3A_883] : memref<2x56x1024xf32, #tpu.memory_space<vmem>> -> memref<1x56x1024xf32, #tpu.memory_space<vmem>>
    %dma_wait3A_885 = tpu.memref_squeeze %dma_wait3A_884 : memref<1x56x1024xf32, #tpu.memory_space<vmem>> -> memref<56x1024xf32, #tpu.memory_space<vmem>>
    tpu.wait_dma2 semaphore(%dma_wait3A_879 : memref<!tpu.dma_semaphore, #tpu.memory_space<semaphore_mem>>) src(%dma_wait3A_885 : memref<56x1024xf32, #tpu.memory_space<vmem>>) dst(%dma_wait3A_881 : memref<56x1024xf32, #tpu.memory_space<hbm>>)
    %add3A_886 = arith.constant 24576 : i32
    %add3A_887 = arith.addi %add3A_886, %add3A_7 : i32
    %add3A_888 = arith.constant 168 : i32
    %add3A_889 = arith.addi %add3A_887, %add3A_888 : i32
    %dma_wait3A_890 = arith.constant 1 : i32
    %dma_wait3A_891 = arith.constant 1 : i32
    %dma_wait3A_892 = arith.constant 0 : i32
    %dma_wait3A_893 = arith.constant 0 : i32
    %dma_wait3A_894 = tpu.memref_slice %arg4[%dma_wait3A_890, %dma_wait3A_892, %dma_wait3A_893] : memref<2x56x1024xf32, #tpu.memory_space<vmem>> -> memref<1x56x1024xf32, #tpu.memory_space<vmem>>
    %dma_wait3A_895 = tpu.memref_squeeze %dma_wait3A_894 : memref<1x56x1024xf32, #tpu.memory_space<vmem>> -> memref<56x1024xf32, #tpu.memory_space<vmem>>
    %dma_wait3A_896 = arith.constant 0 : i32
    %dma_wait3A_897 = tpu.memref_slice %arg3[%add3A_889, %dma_wait3A_896] : memref<32768x1024xf32, #tpu.memory_space<hbm>> -> memref<56x1024xf32, #tpu.memory_space<hbm>>
    %dma_wait3A_898 = tpu.memref_slice %arg6[%dma_wait3A_891] : memref<2x!tpu.dma_semaphore, #tpu.memory_space<semaphore_mem>> -> memref<1x!tpu.dma_semaphore, #tpu.memory_space<semaphore_mem>>
    %dma_wait3A_899 = tpu.memref_squeeze %dma_wait3A_898 : memref<1x!tpu.dma_semaphore, #tpu.memory_space<semaphore_mem>> -> memref<!tpu.dma_semaphore, #tpu.memory_space<semaphore_mem>>
    %dma_wait3A_900 = arith.constant 0 : i32
    %dma_wait3A_901 = tpu.memref_slice %arg3[%add3A_889, %dma_wait3A_900] : memref<32768x1024xf32, #tpu.memory_space<hbm>> -> memref<56x1024xf32, #tpu.memory_space<hbm>>
    %dma_wait3A_902 = arith.constant 0 : i32
    %dma_wait3A_903 = arith.constant 0 : i32
    %dma_wait3A_904 = tpu.memref_slice %arg4[%dma_wait3A_890, %dma_wait3A_902, %dma_wait3A_903] : memref<2x56x1024xf32, #tpu.memory_space<vmem>> -> memref<1x56x1024xf32, #tpu.memory_space<vmem>>
    %dma_wait3A_905 = tpu.memref_squeeze %dma_wait3A_904 : memref<1x56x1024xf32, #tpu.memory_space<vmem>> -> memref<56x1024xf32, #tpu.memory_space<vmem>>
    tpu.wait_dma2 semaphore(%dma_wait3A_899 : memref<!tpu.dma_semaphore, #tpu.memory_space<semaphore_mem>>) src(%dma_wait3A_905 : memref<56x1024xf32, #tpu.memory_space<vmem>>) dst(%dma_wait3A_901 : memref<56x1024xf32, #tpu.memory_space<hbm>>)
    %add3A_906 = arith.constant 0 : i32
    %add3A_907 = arith.addi %add3A_906, %add3A_7 : i32
    %add3A_908 = arith.constant 224 : i32
    %add3A_909 = arith.addi %add3A_907, %add3A_908 : i32
    %dma_wait3A_910 = arith.constant 0 : i32
    %dma_wait3A_911 = arith.constant 0 : i32
    %dma_wait3A_912 = arith.constant 0 : i32
    %dma_wait3A_913 = arith.constant 0 : i32
    %dma_wait3A_914 = tpu.memref_slice %arg4[%dma_wait3A_910, %dma_wait3A_912, %dma_wait3A_913] : memref<2x56x1024xf32, #tpu.memory_space<vmem>> -> memref<1x32x1024xf32, #tpu.memory_space<vmem>>
    %dma_wait3A_915 = tpu.memref_squeeze %dma_wait3A_914 : memref<1x32x1024xf32, #tpu.memory_space<vmem>> -> memref<32x1024xf32, #tpu.memory_space<vmem>>
    %dma_wait3A_916 = arith.constant 0 : i32
    %dma_wait3A_917 = tpu.memref_slice %arg3[%add3A_909, %dma_wait3A_916] : memref<32768x1024xf32, #tpu.memory_space<hbm>> -> memref<32x1024xf32, #tpu.memory_space<hbm>>
    %dma_wait3A_918 = tpu.memref_slice %arg6[%dma_wait3A_911] : memref<2x!tpu.dma_semaphore, #tpu.memory_space<semaphore_mem>> -> memref<1x!tpu.dma_semaphore, #tpu.memory_space<semaphore_mem>>
    %dma_wait3A_919 = tpu.memref_squeeze %dma_wait3A_918 : memref<1x!tpu.dma_semaphore, #tpu.memory_space<semaphore_mem>> -> memref<!tpu.dma_semaphore, #tpu.memory_space<semaphore_mem>>
    %dma_wait3A_920 = arith.constant 0 : i32
    %dma_wait3A_921 = tpu.memref_slice %arg3[%add3A_909, %dma_wait3A_920] : memref<32768x1024xf32, #tpu.memory_space<hbm>> -> memref<32x1024xf32, #tpu.memory_space<hbm>>
    %dma_wait3A_922 = arith.constant 0 : i32
    %dma_wait3A_923 = arith.constant 0 : i32
    %dma_wait3A_924 = tpu.memref_slice %arg4[%dma_wait3A_910, %dma_wait3A_922, %dma_wait3A_923] : memref<2x56x1024xf32, #tpu.memory_space<vmem>> -> memref<1x32x1024xf32, #tpu.memory_space<vmem>>
    %dma_wait3A_925 = tpu.memref_squeeze %dma_wait3A_924 : memref<1x32x1024xf32, #tpu.memory_space<vmem>> -> memref<32x1024xf32, #tpu.memory_space<vmem>>
    tpu.wait_dma2 semaphore(%dma_wait3A_919 : memref<!tpu.dma_semaphore, #tpu.memory_space<semaphore_mem>>) src(%dma_wait3A_925 : memref<32x1024xf32, #tpu.memory_space<vmem>>) dst(%dma_wait3A_921 : memref<32x1024xf32, #tpu.memory_space<hbm>>)
    %add3A_926 = arith.constant 8192 : i32
    %add3A_927 = arith.addi %add3A_926, %add3A_7 : i32
    %add3A_928 = arith.constant 224 : i32
    %add3A_929 = arith.addi %add3A_927, %add3A_928 : i32
    %dma_wait3A_930 = arith.constant 0 : i32
    %dma_wait3A_931 = arith.constant 0 : i32
    %dma_wait3A_932 = arith.constant 0 : i32
    %dma_wait3A_933 = arith.constant 0 : i32
    %dma_wait3A_934 = tpu.memref_slice %arg4[%dma_wait3A_930, %dma_wait3A_932, %dma_wait3A_933] : memref<2x56x1024xf32, #tpu.memory_space<vmem>> -> memref<1x32x1024xf32, #tpu.memory_space<vmem>>
    %dma_wait3A_935 = tpu.memref_squeeze %dma_wait3A_934 : memref<1x32x1024xf32, #tpu.memory_space<vmem>> -> memref<32x1024xf32, #tpu.memory_space<vmem>>
    %dma_wait3A_936 = arith.constant 0 : i32
    %dma_wait3A_937 = tpu.memref_slice %arg3[%add3A_929, %dma_wait3A_936] : memref<32768x1024xf32, #tpu.memory_space<hbm>> -> memref<32x1024xf32, #tpu.memory_space<hbm>>
    %dma_wait3A_938 = tpu.memref_slice %arg6[%dma_wait3A_931] : memref<2x!tpu.dma_semaphore, #tpu.memory_space<semaphore_mem>> -> memref<1x!tpu.dma_semaphore, #tpu.memory_space<semaphore_mem>>
    %dma_wait3A_939 = tpu.memref_squeeze %dma_wait3A_938 : memref<1x!tpu.dma_semaphore, #tpu.memory_space<semaphore_mem>> -> memref<!tpu.dma_semaphore, #tpu.memory_space<semaphore_mem>>
    %dma_wait3A_940 = arith.constant 0 : i32
    %dma_wait3A_941 = tpu.memref_slice %arg3[%add3A_929, %dma_wait3A_940] : memref<32768x1024xf32, #tpu.memory_space<hbm>> -> memref<32x1024xf32, #tpu.memory_space<hbm>>
    %dma_wait3A_942 = arith.constant 0 : i32
    %dma_wait3A_943 = arith.constant 0 : i32
    %dma_wait3A_944 = tpu.memref_slice %arg4[%dma_wait3A_930, %dma_wait3A_942, %dma_wait3A_943] : memref<2x56x1024xf32, #tpu.memory_space<vmem>> -> memref<1x32x1024xf32, #tpu.memory_space<vmem>>
    %dma_wait3A_945 = tpu.memref_squeeze %dma_wait3A_944 : memref<1x32x1024xf32, #tpu.memory_space<vmem>> -> memref<32x1024xf32, #tpu.memory_space<vmem>>
    tpu.wait_dma2 semaphore(%dma_wait3A_939 : memref<!tpu.dma_semaphore, #tpu.memory_space<semaphore_mem>>) src(%dma_wait3A_945 : memref<32x1024xf32, #tpu.memory_space<vmem>>) dst(%dma_wait3A_941 : memref<32x1024xf32, #tpu.memory_space<hbm>>)
    %add3A_946 = arith.constant 16384 : i32
    %add3A_947 = arith.addi %add3A_946, %add3A_7 : i32
    %add3A_948 = arith.constant 224 : i32
    %add3A_949 = arith.addi %add3A_947, %add3A_948 : i32
    %dma_wait3A_950 = arith.constant 0 : i32
    %dma_wait3A_951 = arith.constant 0 : i32
    %dma_wait3A_952 = arith.constant 0 : i32
    %dma_wait3A_953 = arith.constant 0 : i32
    %dma_wait3A_954 = tpu.memref_slice %arg4[%dma_wait3A_950, %dma_wait3A_952, %dma_wait3A_953] : memref<2x56x1024xf32, #tpu.memory_space<vmem>> -> memref<1x32x1024xf32, #tpu.memory_space<vmem>>
    %dma_wait3A_955 = tpu.memref_squeeze %dma_wait3A_954 : memref<1x32x1024xf32, #tpu.memory_space<vmem>> -> memref<32x1024xf32, #tpu.memory_space<vmem>>
    %dma_wait3A_956 = arith.constant 0 : i32
    %dma_wait3A_957 = tpu.memref_slice %arg3[%add3A_949, %dma_wait3A_956] : memref<32768x1024xf32, #tpu.memory_space<hbm>> -> memref<32x1024xf32, #tpu.memory_space<hbm>>
    %dma_wait3A_958 = tpu.memref_slice %arg6[%dma_wait3A_951] : memref<2x!tpu.dma_semaphore, #tpu.memory_space<semaphore_mem>> -> memref<1x!tpu.dma_semaphore, #tpu.memory_space<semaphore_mem>>
    %dma_wait3A_959 = tpu.memref_squeeze %dma_wait3A_958 : memref<1x!tpu.dma_semaphore, #tpu.memory_space<semaphore_mem>> -> memref<!tpu.dma_semaphore, #tpu.memory_space<semaphore_mem>>
    %dma_wait3A_960 = arith.constant 0 : i32
    %dma_wait3A_961 = tpu.memref_slice %arg3[%add3A_949, %dma_wait3A_960] : memref<32768x1024xf32, #tpu.memory_space<hbm>> -> memref<32x1024xf32, #tpu.memory_space<hbm>>
    %dma_wait3A_962 = arith.constant 0 : i32
    %dma_wait3A_963 = arith.constant 0 : i32
    %dma_wait3A_964 = tpu.memref_slice %arg4[%dma_wait3A_950, %dma_wait3A_962, %dma_wait3A_963] : memref<2x56x1024xf32, #tpu.memory_space<vmem>> -> memref<1x32x1024xf32, #tpu.memory_space<vmem>>
    %dma_wait3A_965 = tpu.memref_squeeze %dma_wait3A_964 : memref<1x32x1024xf32, #tpu.memory_space<vmem>> -> memref<32x1024xf32, #tpu.memory_space<vmem>>
    tpu.wait_dma2 semaphore(%dma_wait3A_959 : memref<!tpu.dma_semaphore, #tpu.memory_space<semaphore_mem>>) src(%dma_wait3A_965 : memref<32x1024xf32, #tpu.memory_space<vmem>>) dst(%dma_wait3A_961 : memref<32x1024xf32, #tpu.memory_space<hbm>>)
    %add3A_966 = arith.constant 24576 : i32
    %add3A_967 = arith.addi %add3A_966, %add3A_7 : i32
    %add3A_968 = arith.constant 224 : i32
    %add3A_969 = arith.addi %add3A_967, %add3A_968 : i32
    %dma_wait3A_970 = arith.constant 0 : i32
    %dma_wait3A_971 = arith.constant 0 : i32
    %dma_wait3A_972 = arith.constant 0 : i32
    %dma_wait3A_973 = arith.constant 0 : i32
    %dma_wait3A_974 = tpu.memref_slice %arg4[%dma_wait3A_970, %dma_wait3A_972, %dma_wait3A_973] : memref<2x56x1024xf32, #tpu.memory_space<vmem>> -> memref<1x32x1024xf32, #tpu.memory_space<vmem>>
    %dma_wait3A_975 = tpu.memref_squeeze %dma_wait3A_974 : memref<1x32x1024xf32, #tpu.memory_space<vmem>> -> memref<32x1024xf32, #tpu.memory_space<vmem>>
    %dma_wait3A_976 = arith.constant 0 : i32
    %dma_wait3A_977 = tpu.memref_slice %arg3[%add3A_969, %dma_wait3A_976] : memref<32768x1024xf32, #tpu.memory_space<hbm>> -> memref<32x1024xf32, #tpu.memory_space<hbm>>
    %dma_wait3A_978 = tpu.memref_slice %arg6[%dma_wait3A_971] : memref<2x!tpu.dma_semaphore, #tpu.memory_space<semaphore_mem>> -> memref<1x!tpu.dma_semaphore, #tpu.memory_space<semaphore_mem>>
    %dma_wait3A_979 = tpu.memref_squeeze %dma_wait3A_978 : memref<1x!tpu.dma_semaphore, #tpu.memory_space<semaphore_mem>> -> memref<!tpu.dma_semaphore, #tpu.memory_space<semaphore_mem>>
    %dma_wait3A_980 = arith.constant 0 : i32
    %dma_wait3A_981 = tpu.memref_slice %arg3[%add3A_969, %dma_wait3A_980] : memref<32768x1024xf32, #tpu.memory_space<hbm>> -> memref<32x1024xf32, #tpu.memory_space<hbm>>
    %dma_wait3A_982 = arith.constant 0 : i32
    %dma_wait3A_983 = arith.constant 0 : i32
    %dma_wait3A_984 = tpu.memref_slice %arg4[%dma_wait3A_970, %dma_wait3A_982, %dma_wait3A_983] : memref<2x56x1024xf32, #tpu.memory_space<vmem>> -> memref<1x32x1024xf32, #tpu.memory_space<vmem>>
    %dma_wait3A_985 = tpu.memref_squeeze %dma_wait3A_984 : memref<1x32x1024xf32, #tpu.memory_space<vmem>> -> memref<32x1024xf32, #tpu.memory_space<vmem>>
    tpu.wait_dma2 semaphore(%dma_wait3A_979 : memref<!tpu.dma_semaphore, #tpu.memory_space<semaphore_mem>>) src(%dma_wait3A_985 : memref<32x1024xf32, #tpu.memory_space<vmem>>) dst(%dma_wait3A_981 : memref<32x1024xf32, #tpu.memory_space<hbm>>)
    return
  }
}

</mosaic_0001>

<sc_bundles>
// kernel: kernel.3.cloned.1.call-start
scs
__scs_entry_jumppad:
0x0: {  	(pc) =	sbr.rel $0x88, $3  }
0x1: {  	(tag) =	ssettag $0x0;
	lr =	simm.s32 $0x1  }
0x2: {  	[smem:$0x3FA0] =	sst lr;
	_ =	strace $0xD0000000  }
0x3: {  	_ = 	snop  }
0x4: {  	_ = 	snop  }
0x5: {  	_ = 	snop  }
0x6: {  	_ = 	snop  }
0x7: {  	_ = 	snop  }
__scs_overlays_trampoline_lowered:
0x8: {  	[smem:$0x3FAF] =	sst s0  }
0x9: {  	[smem:$0x3FB0] =	sst s1  }
0xa: {  	[smem:$0x3FB1] =	sst s2  }
0xb: {  	[smem:$0x3FB2] =	sst s3  }
0xc: {  	[smem:$0x3FB3] =	sst s4  }
0xd: {  	[smem:$0x3FB4] =	sst s5  }
0xe: {  	[smem:$0x3FB5] =	sst s6  }
0xf: {  	[smem:$0x3FB6] =	sst s7  }
0x10: {  	[smem:$0x3FB7] =	sst s8  }
0x11: {  	[smem:$0x3FB8] =	sst s9;
	s0 =	simm.s32 @!p0 $0x0  }
0x12: {  	s1 =	sld [smem:$0x3F9E];
	s0 =	simm.s32 @p0 $0x1  }
0x13: {  	[smem:$0x3FB9] =	sst s0;
	s0 =	simm.s32 @!p1 $0x0  }
0x14: {  	s2 =	sld [smem:$0x3F9D];
	s0 =	simm.s32 @p1 $0x1  }
0x15: {  	[smem:$0x3FBA] =	sst s0;
	s0 =	simm.s32 @!p2 $0x0  }
0x16: {  	s3 =	sld [smem:$0x3FDB];
	s0 =	simm.s32 @p2 $0x1  }
0x17: {  	s4 =	simm.s32 $0x1BF5;
	[smem:$0x3FBC] =	sst s0  }
0x18: {  	s0 =	sld [smem:$0x3F9F];
	_ =	swait.ge [sflag:s4], $0x0  }
0x19: {  	s7 =	sld [smem:$0x3FA0]  }
0x1a: {  	s8 =	sadd.s32 $0xFFFFE003, lr  }
0x1b: {  	s9 =	sadd.s32 $0xFFFFFEF7, lr;
	s5 =	simm.s32 $0xFFFFFFFF;
	p2 =	slt.u32 s8, $0xFFFFF086  }
0x1c: {  	p1 =	slt.u32 s9, $0xF7A;
	s5 =	simm.s32 @!p2 $0x0  }
0x1d: {  	s5 =	simm.s32 @p1 $0x1;
	p0 =	seq.s32 s7, s2  }
0x1e: {  	s7 =	smul.u32 @!p0 $0xF7A, s2;
	p2 =	seq.s32 @!p0 s5, $0x0  }
0x1f: {  	s9 =	smul.u32 $0xF7A, s1;
	s8 =	simm.s32 @!p0 $0x1BF5;
	p2 =	por !p2, p0  }
0x20: {  	[sflag:s8] =	ssyncset.s32 @!p0 $0xFFFFF086;
	s6 =	sadd.s32 @!p0 s3, s7;
	s7 =	simm.s32 @!p0 $0x108  }
0x21: {  	s3 =	sadd.s32 s3, s9;
	s6 =	sadd.s32 @!p0 $0x88, s6;
	s7 =	simm.s32 @p2 $0x1082  }
0x22: {  	[simem:s7], [sflag:s8] =	dma.local @!p0 [hbm:s6], $0xF7A  }
0x23: {  	s9 =	sor.u32 $0xD0000000, s2;
	s6 =	simm.s32 $0x108;
	_ =	swait.ge @!p0 [sflag:s8], $0x0  }
0x24: {  	s3 =	sadd.s32 $0x88, s3;
	s6 =	simm.s32 @!p1 $0x1082;
	[sflag:s4] =	ssyncset.s32 $0xFFFFF086  }
0x25: {  	[simem:s6], [sflag:s4] =	dma.local [hbm:s3], $0xF7A  }
0x26: {  	[smem:$0x3FA0] =	sst s1;
	(tag) =	ssettag s2;
	_ =	strace s9  }
0x27: {  	s1 =	sld [smem:$0x3FB0]  }
0x28: {  	s2 =	sld [smem:$0x3FB1]  }
0x29: {  	s4 =	sld [smem:$0x3FB3]  }
0x2a: {  	p0 =	seq.s32 s5, $0x0;
	s5 =	sld [smem:$0x3FB4]  }
0x2b: {  	s6 =	sld [smem:$0x3FB5]  }
0x2c: {  	s7 =	sld [smem:$0x3FB6]  }
0x2d: {  	s3 =	simm.s32 $0x108;
	s8 =	sld [smem:$0x3FB7]  }
0x2e: {  	s3 =	simm.s32 @!p0 $0x1082;
	s9 =	sld [smem:$0x3FB8]  }
0x2f: {  	lr =	sadd.s32 s0, s3;
	s0 =	sld [smem:$0x3FAF]  }
0x30: {  	s3 =	sld [smem:$0x3FB2]  }
0x31: {  	[smem:$0x3FBB] =	sst s10  }
0x32: {  	s10 =	sld [smem:$0x3FB9];
	_ =	sdelay $0x3  }
0x33: {  	p0 =	seq.s32 s10, $0x1;
	s10 =	sld [smem:$0x3FBB];
	_ =	sdelay $0x3  }
0x34: {  	[smem:$0x3FBB] =	sst s10  }
0x35: {  	s10 =	sld [smem:$0x3FBA];
	_ =	sdelay $0x3  }
0x36: {  	p1 =	seq.s32 s10, $0x1;
	s10 =	sld [smem:$0x3FBB];
	_ =	sdelay $0x3  }
0x37: {  	[smem:$0x3FBB] =	sst s10  }
0x38: {  	s10 =	sld [smem:$0x3FBC]  }
0x39: {  	_ = 	snop;
	(pc) =	sbr.ind lr, $3  }
0x3a: {  	_ = 	snop  }
0x3b: {  	_ = 	snop  }
0x3c: {  	p2 =	seq.s32 s10, $0x1;
	s10 =	sld [smem:$0x3FBB]  }
0x3d: {  	_ =	shalt  }
0x3e: {  	_ =	shalt  }
0x3f: {  	_ =	shalt  }
0x40: {  	_ =	shalt  }
0x41: {  	_ =	shalt  }
0x42: {  	_ =	shalt  }
0x43: {  	_ =	shalt  }
0x44: {  	_ =	shalt  }
0x45: {  	_ =	shalt  }
0x46: {  	_ =	shalt  }
0x47: {  	_ =	shalt  }
0x48: {  	_ =	shalt  }
0x49: {  	_ =	shalt  }
0x4a: {  	_ =	shalt  }
0x4b: {  	_ =	shalt  }
0x4c: {  	_ =	shalt  }
0x4d: {  	_ =	shalt  }
0x4e: {  	_ =	shalt  }
0x4f: {  	_ =	shalt  }
0x50: {  	_ =	shalt  }
0x51: {  	_ =	shalt  }
0x52: {  	_ =	shalt  }
0x53: {  	_ =	shalt  }
0x54: {  	_ =	shalt  }
0x55: {  	_ =	shalt  }
0x56: {  	_ =	shalt  }
0x57: {  	_ =	shalt  }
0x58: {  	_ =	shalt  }
0x59: {  	_ =	shalt  }
0x5a: {  	_ =	shalt  }
0x5b: {  	_ =	shalt  }
0x5c: {  	_ =	shalt  }
0x5d: {  	_ =	shalt  }
0x5e: {  	_ =	shalt  }
0x5f: {  	_ =	shalt  }
0x60: {  	_ =	shalt  }
0x61: {  	_ =	shalt  }
0x62: {  	_ =	shalt  }
0x63: {  	_ =	shalt  }
0x64: {  	_ =	shalt  }
0x65: {  	_ =	shalt  }
0x66: {  	_ =	shalt  }
0x67: {  	_ =	shalt  }
0x68: {  	_ =	shalt  }
0x69: {  	_ =	shalt  }
0x6a: {  	_ =	shalt  }
0x6b: {  	_ =	shalt  }
0x6c: {  	_ =	shalt  }
0x6d: {  	_ =	shalt  }
0x6e: {  	_ =	shalt  }
0x6f: {  	_ =	shalt  }
0x70: {  	_ =	shalt  }
0x71: {  	_ =	shalt  }
0x72: {  	_ =	shalt  }
0x73: {  	_ =	shalt  }
0x74: {  	_ =	shalt  }
0x75: {  	_ =	shalt  }
0x76: {  	_ =	shalt  }
0x77: {  	_ =	shalt  }
0x78: {  	_ =	shalt  }
0x79: {  	_ =	shalt  }
0x7a: {  	_ =	shalt  }
0x7b: {  	_ =	shalt  }
0x7c: {  	_ =	shalt  }
0x7d: {  	_ =	shalt  }
0x7e: {  	_ =	shalt  }
0x7f: {  	_ =	shalt  }
0x80: {  	_ =	shalt  }
0x81: {  	_ =	shalt  }
0x82: {  	_ =	shalt  }
0x83: {  	_ =	shalt  }
0x84: {  	_ =	shalt  }
0x85: {  	_ =	shalt  }
0x86: {  	_ =	shalt  }
0x87: {  	_ =	shalt  }
.Lfunc_end0:
.L_simem_size_0:
called_computation_lowered:
.L_overlay_start_0:
0x88: {  	s2 =	sld [smem:$0x3FD9]  }
0x89: {  	s3 =	sld [smem:$0x3FFE];
	_ =	sdelay $0x1  }
0x8a: {  	s1 =	srdreg.scid  }
0x8b: {  	s0 =	sand.u32 $0x1, s1  }
0x8c: {  	s18 =	sshll.u32 s0, $0xA;
	s2 =	sadd.s32 s3, s2  }
0x8d: {  	s2 =	sadd.s32 s2, s18  }
0x8e: {  	[smem:$0x3FC7] =	sst s2  }
0x8f: {  	_ = 	snop  }
0x90: {  	s2 =	sld [smem:$0x3FC9]  }
0x91: {  	s19 =	sld [smem:$0x3FD0];
	(tm) =	ssettm $0x1  }
0x92: {  	s4 =	sld [smem:$0x3FFB];
	_ =	sdelay $0x3  }
0x93: {  	_ =	strace s4  }
0x94: {  	s4 =	sld [smem:$0x3FFC];
	_ =	sdelay $0x3  }
0x95: {  	_ =	strace s4  }
0x96: {  	s4 =	sld [smem:$0x3FFD];
	_ =	sdelay $0x3  }
0x97: {  	_ =	strace s4  }
0x98: {  	_ =	strace $0x8FFFFFFF  }
0x99: {  	s20 =	sld [smem:$0x3FDB];
	_ =	sdelay $0x1  }
0x9a: {  	s5 =	simm.s32 $_scs_section_size  }
0x9b: {  	s6 =	simm.s32 $_size__tile_overlayer_lowered;
	s7 =	simm.s32 $_tile_overlayer_lowered  }
0x9c: {  	s23 =	simm.s32 $0x1BFF;
	s22 =	sshll.u32 s7, $0x1;
	s4 =	sadd.s32 s5, s20  }
0x9d: {  	s8 =	simm.s32 $0x0;
	s21 =	sshll.u32 s6, $0x1;
	s6 =	sadd.s32 s22, s4  }
0x9e: {  	[timem:s8], [sflag:s23] =	dma.local [hbm:s6], s21  }
0x9f: {  	_ =	swait.ge [sflag:s23], s21  }
0xa0: {  	s5 =	ssub.s32 $0x0, s21;
	[sflag:s23] =	ssyncset.done $0x0  }
0xa1: {  	[sflag:s23] =	ssyncadd.s32 s5;
	_ =	sdelay $0x1  }
0xa2: {  	s24 =	simm.s32 $0x1B8B  }
0xa3: {  	_ =	swait.ge [sflag:s24], $0x1  }
0xa4: {  	[sflag:s24] =	ssyncset.done $0x0  }
0xa5: {  	s25 =	simm.s32 $0x1B8E;
	[sflag:s24] =	ssyncadd.s32 $0xFFFFFFFF  }
0xa6: {  	s26 =	simm.s32 $execute0_lowered;
	[smem:$0x3FD2] =	sst s25  }
0xa7: {  	s5 =	sshll.u32 s26, $0x1;
	_ =	strace $0x80000046;
	[dreg:$0x1] =	wrdreg $0xFFFFFFFF  }
0xa8: {  	s28 =	simm.s32 $_size_execute0_lowered;
	s4 =	sadd.s32 s4, s5;
	[dreg:$0x0] =	wrdreg $0x0  }
0xa9: {  	s5 =	sshll.u32 s28, $0x1;
	[dreg:$0x2] =	wrdreg s4  }
0xaa: {  	[dreg:$0x3] =	wrdreg s5  }
0xab: {  	[dreg:$0x4] =	wrdreg $0xC0  }
0xac: {  	_ =	task [dreg:s8], $0x5FFFF  }
0xad: {  	[dreg:$0x1] =	wrdreg $0xFFFFFFFF  }
0xae: {  	[dreg:$0x0] =	wrdreg $0x60  }
0xaf: {  	[dreg:$0x2] =	wrdreg s2  }
0xb0: {  	[dreg:$0x3] =	wrdreg s19  }
0xb1: {  	[dreg:$0x4] =	wrdreg $0x9  }
0xb2: {  	_ =	task.clear_ibuf [dreg:s8], $0x5FFFF;
	_ =	strace $0x90000046  }
0xb3: {  	s29 =	simm.s32 $0x9;
	_ =	strace $0x80000048  }
0xb4: {  	_ =	swait.ge [sflag:s29], $0x1  }
0xb5: {  	[sflag:s29] =	ssyncadd.s32 $0xFFFFFFFF  }
0xb6: {  	_ =	strace $0x90000048  }
0xb7: {  	_ =	sfence  }
0xb8: {  	s30 =	sld [smem:$0x0];
	_ =	sdelay $0x2  }
0xb9: {  	s31 =	sshll.u32 s1, $0xD;
	s1 =	sshrl.u32 s1, $0x2  }
0xba: {  	s3 =	sand.u32 $0x4000, s31;
	s1 =	sadd.s32 s1, s30  }
0xbb: {  	s0 =	sor.u32 s3, s0;
	s1 =	sshll.u32 s1, $0x11  }
0xbc: {  	s0 =	sor.u32 s1, s0  }
0xbd: {  	s0 =	sadd.s32 $0x8F2B, s0  }
0xbe: {  	[sflag:s0] =	ssyncadd.remote.s32 $0x1  }
0xbf: {  	_ =	sfence.sel $0xFFFF  }
0xc0: {  	[dreg:$0x0] =	wrdreg $0xFFFFFFFF;
	(pc) =	sbr.abs _section_cstart, $3  }
0xc1: {  	[dreg:$0x1] =	wrdreg $0xFFFFFFFF  }
0xc2: {  	_ =	task.clear_ibuf [dreg:s8], $0x2FFFF;
	_ =	strace $0x9FFFFFFF  }
0xc3: {  	(tm) =	ssettm $0x7FFFFFFF  }
tec
execute0_lowered:
.L_overlay_start_1:
0x0: {  	(tag) =	ssettag $0x1  }
0x1: {  	s0 =	rddreg [dreg:$0x0]  }
0x2: {  	s1 =	rddreg [dreg:$0x1];
	s2 =	simm.s32 $0x0  }
0x3: {  	s3 =	srdreg.scid;
	s6 =	stileid.u32;
	p0 =	por $0x0, $0x0  }
0x4: {  	[smem:$0x7FF] =	sst s2;
	s3 =	sand.u32 $0x1, s3;
	s4 =	sshll.u32 s6, $0x12  }
0x5: {  	s6 =	sshll.u32 s6, $0xD;
	s5 =	sshll.u32 s3, $0x11;
	s4 =	sand.u32 $0xC0000, s4  }
0x6: {  	s3 =	ssub.s32 $0x2, s3;
	s10 =	sand.u32 $0x18000, s6;
	s4 =	sor.u32 s5, s4  }
0x7: {  	_ =	strace $0x80000047;
	s11 =	sshrl.u32 s3, $0x1;
	s4 =	sor.u32 s10, s4  }
0x8: {  	s3 =	ssub.s32 s3, s11;
	s5 =	sadd.s32 s0, s4;
	s12 =	sor.u32 $0x1C00, s4  }
0x9: {  	s28 =	sadd.s32 s1, s4;
	s14 =	sor.u32 $0x3800, s4;
	s15 =	sor.u32 $0x5400, s4  }
0xa: {  	s4 =	sor.u32 $0x7000, s4;
	s20 =	smax.u32 s3, $0x1;
	s3 =	simm.s32 $0x3  }
0xb: {  	[dreg:$0x3] =	wrdreg s5;
	s13 =	sadd.s32 s0, s12;
	s29 =	sadd.s32 $0x100000, s28  }
0xc: {  	s30 =	sadd.s32 $0x200000, s28;
	s31 =	sadd.s32 $0x300000, s28;
	s26 =	sadd.s32 s0, s14  }
0xd: {  	s22 =	sadd.s32 s1, s12;
	s23 =	sadd.s32 $0x101C00, s28;
	s24 =	sadd.s32 $0x201C00, s28  }
0xe: {  	s25 =	sadd.s32 $0x301C00, s28;
	s21 =	sadd.s32 s0, s15;
	s17 =	sadd.s32 $0x103800, s28  }
0xf: {  	s16 =	sadd.s32 s1, s14;
	s18 =	sadd.s32 $0x203800, s28;
	s19 =	sadd.s32 $0x303800, s28  }
0x10: {  	s9 =	sadd.s32 $0x105400, s28;
	s10 =	sadd.s32 $0x205400, s28;
	p1 =	sne.s32 s20, $0x1  }
.Ltmp0:
0x11: {  	s8 =	sadd.s32 s1, s15;
	s11 =	sadd.s32 $0x305400, s28;
	(pc) =	sbr.rel @!p1 .LBB2_3-.Ltmp0, $4  }
0x12: {  	s5 =	sadd.s32 s1, s4;
	s6 =	sadd.s32 $0x107000, s28;
	s7 =	sadd.s32 $0x207000, s28  }
0x13: {  	s12 =	sadd.s32 $0x307000, s28;
	s15 =	simm.s32 $0xE000;
	s14 =	simm.s32 $0x1  }
0x14: {  	[dreg:$0x4] =	wrdreg s13;
	s13 =	sadd.s32 s0, s4;
	s0 =	sadd.s32 $0xFFFFFFFF, s20  }
0x15: {  	s20 =	simm.s32 $0x2;
	s4 =	simm.s32 $0x4;
	s1 =	rddreg [dreg:$0x3]  }
0x16: {  	[dreg:$0x5] =	wrdreg s0  }
0x17: {  	[tilespmem:s2], [sflag:$0x1] =	stream.linear.gather [hbm4b:s1+s2], $0xE000, $0x38;
	[tilespmem:$0x1C000] =	vst v63  }
0x18: {  	s0 =	rddreg [dreg:$0x4]  }
0x19: {  	[tilespmem:s15], [sflag:$0x2] =	stream.linear.gather [hbm4b:s0+s2], $0xE000, $0x38;
	[tilespmem:$0x1C000] =	vst v63  }
0x1a: {  	_ =	swait.ge [sflag:s14], $0xE000  }
0x1b: {  	[sflag:s14] =	ssyncset.done $0x0  }
0x1c: {  	[sflag:s14] =	ssyncadd.s32 $0xFFFF2000  }
0x1d: {  	[hbm4b:s28+s2] =	stream.linear.scatter [tilespmem:s2], [sflag:$0x3], $0xE000, $0x38;
	[tilespmem:$0x1C000] =	vst v63  }
0x1e: {  	_ = 	snop  }
0x1f: {  	[hbm4b:s29+s2] =	stream.linear.scatter [tilespmem:s2], [sflag:$0x3], $0xE000, $0x38;
	[tilespmem:$0x1C000] =	vst v63  }
0x20: {  	_ = 	snop  }
0x21: {  	[hbm4b:s30+s2] =	stream.linear.scatter [tilespmem:s2], [sflag:$0x3], $0xE000, $0x38;
	[tilespmem:$0x1C000] =	vst v63  }
0x22: {  	_ = 	snop  }
0x23: {  	[hbm4b:s31+s2] =	stream.linear.scatter [tilespmem:s2], [sflag:$0x3], $0xE000, $0x38;
	[tilespmem:$0x1C000] =	vst v63  }
0x24: {  	_ =	swait.ge [sflag:s3], $0xE000  }
0x25: {  	[sflag:s3] =	ssyncset.done $0x0  }
0x26: {  	[sflag:s3] =	ssyncadd.s32 $0xFFFF2000  }
0x27: {  	_ =	swait.ge [sflag:s3], $0xE000  }
0x28: {  	[sflag:s3] =	ssyncset.done $0x0  }
0x29: {  	[sflag:s3] =	ssyncadd.s32 $0xFFFF2000  }
0x2a: {  	_ =	swait.ge [sflag:s3], $0xE000  }
0x2b: {  	[sflag:s3] =	ssyncset.done $0x0  }
0x2c: {  	[sflag:s3] =	ssyncadd.s32 $0xFFFF2000  }
0x2d: {  	_ =	swait.ge [sflag:s3], $0xE000  }
0x2e: {  	[sflag:s3] =	ssyncset.done $0x0  }
0x2f: {  	[sflag:s3] =	ssyncadd.s32 $0xFFFF2000  }
0x30: {  	[tilespmem:s2], [sflag:$0x1] =	stream.linear.gather [hbm4b:s26+s2], $0xE000, $0x38;
	[tilespmem:$0x1C000] =	vst v63  }
0x31: {  	_ =	swait.ge [sflag:s20], $0xE000  }
0x32: {  	[sflag:s20] =	ssyncset.done $0x0  }
0x33: {  	[sflag:s20] =	ssyncadd.s32 $0xFFFF2000  }
0x34: {  	[hbm4b:s22+s2] =	stream.linear.scatter [tilespmem:s15], [sflag:$0x4], $0xE000, $0x38;
	[tilespmem:$0x1C000] =	vst v63  }
0x35: {  	_ = 	snop  }
0x36: {  	[hbm4b:s23+s2] =	stream.linear.scatter [tilespmem:s15], [sflag:$0x4], $0xE000, $0x38;
	[tilespmem:$0x1C000] =	vst v63  }
0x37: {  	_ = 	snop  }
0x38: {  	[hbm4b:s24+s2] =	stream.linear.scatter [tilespmem:s15], [sflag:$0x4], $0xE000, $0x38;
	[tilespmem:$0x1C000] =	vst v63  }
0x39: {  	_ = 	snop  }
0x3a: {  	[hbm4b:s25+s2] =	stream.linear.scatter [tilespmem:s15], [sflag:$0x4], $0xE000, $0x38;
	[tilespmem:$0x1C000] =	vst v63  }
0x3b: {  	_ =	swait.ge [sflag:s4], $0xE000  }
0x3c: {  	[sflag:s4] =	ssyncset.done $0x0  }
0x3d: {  	[sflag:s4] =	ssyncadd.s32 $0xFFFF2000  }
0x3e: {  	_ =	swait.ge [sflag:s4], $0xE000  }
0x3f: {  	[sflag:s4] =	ssyncset.done $0x0  }
0x40: {  	[sflag:s4] =	ssyncadd.s32 $0xFFFF2000  }
0x41: {  	_ =	swait.ge [sflag:s4], $0xE000  }
0x42: {  	[sflag:s4] =	ssyncset.done $0x0  }
0x43: {  	[sflag:s4] =	ssyncadd.s32 $0xFFFF2000  }
0x44: {  	_ =	swait.ge [sflag:s4], $0xE000  }
0x45: {  	[sflag:s4] =	ssyncset.done $0x0  }
0x46: {  	[sflag:s4] =	ssyncadd.s32 $0xFFFF2000  }
0x47: {  	[tilespmem:s15], [sflag:$0x2] =	stream.linear.gather [hbm4b:s21+s2], $0xE000, $0x38;
	[tilespmem:$0x1C000] =	vst v63  }
0x48: {  	_ =	swait.ge [sflag:s14], $0xE000  }
0x49: {  	[sflag:s14] =	ssyncset.done $0x0  }
0x4a: {  	[sflag:s14] =	ssyncadd.s32 $0xFFFF2000  }
0x4b: {  	[hbm4b:s16+s2] =	stream.linear.scatter [tilespmem:s2], [sflag:$0x3], $0xE000, $0x38;
	[tilespmem:$0x1C000] =	vst v63  }
0x4c: {  	_ = 	snop  }
0x4d: {  	[hbm4b:s17+s2] =	stream.linear.scatter [tilespmem:s2], [sflag:$0x3], $0xE000, $0x38;
	[tilespmem:$0x1C000] =	vst v63  }
0x4e: {  	_ = 	snop  }
0x4f: {  	[hbm4b:s18+s2] =	stream.linear.scatter [tilespmem:s2], [sflag:$0x3], $0xE000, $0x38;
	[tilespmem:$0x1C000] =	vst v63  }
0x50: {  	_ = 	snop  }
0x51: {  	[hbm4b:s19+s2] =	stream.linear.scatter [tilespmem:s2], [sflag:$0x3], $0xE000, $0x38;
	[tilespmem:$0x1C000] =	vst v63  }
0x52: {  	_ =	swait.ge [sflag:s3], $0xE000  }
0x53: {  	[sflag:s3] =	ssyncset.done $0x0  }
0x54: {  	[sflag:s3] =	ssyncadd.s32 $0xFFFF2000  }
0x55: {  	_ =	swait.ge [sflag:s3], $0xE000  }
0x56: {  	[sflag:s3] =	ssyncset.done $0x0  }
0x57: {  	[sflag:s3] =	ssyncadd.s32 $0xFFFF2000  }
0x58: {  	_ =	swait.ge [sflag:s3], $0xE000  }
0x59: {  	[sflag:s3] =	ssyncset.done $0x0  }
0x5a: {  	[sflag:s3] =	ssyncadd.s32 $0xFFFF2000  }
0x5b: {  	_ =	swait.ge [sflag:s3], $0xE000  }
0x5c: {  	[sflag:s3] =	ssyncset.done $0x0  }
0x5d: {  	[sflag:s3] =	ssyncadd.s32 $0xFFFF2000  }
0x5e: {  	[tilespmem:s2], [sflag:$0x1] =	stream.linear.gather [hbm4b:s13+s2], $0x8000, $0x38;
	[tilespmem:$0x1C000] =	vst v63  }
0x5f: {  	_ =	swait.ge [sflag:s20], $0xE000  }
0x60: {  	[sflag:s20] =	ssyncset.done $0x0  }
0x61: {  	[sflag:s20] =	ssyncadd.s32 $0xFFFF2000  }
0x62: {  	[hbm4b:s8+s2] =	stream.linear.scatter [tilespmem:s15], [sflag:$0x4], $0xE000, $0x38;
	[tilespmem:$0x1C000] =	vst v63  }
0x63: {  	_ = 	snop  }
0x64: {  	[hbm4b:s9+s2] =	stream.linear.scatter [tilespmem:s15], [sflag:$0x4], $0xE000, $0x38;
	[tilespmem:$0x1C000] =	vst v63  }
0x65: {  	_ = 	snop  }
0x66: {  	[hbm4b:s10+s2] =	stream.linear.scatter [tilespmem:s15], [sflag:$0x4], $0xE000, $0x38;
	[tilespmem:$0x1C000] =	vst v63  }
0x67: {  	_ = 	snop  }
0x68: {  	[hbm4b:s11+s2] =	stream.linear.scatter [tilespmem:s15], [sflag:$0x4], $0xE000, $0x38;
	[tilespmem:$0x1C000] =	vst v63  }
0x69: {  	_ =	swait.ge [sflag:s14], $0x8000  }
0x6a: {  	[sflag:s14] =	ssyncset.done $0x0  }
0x6b: {  	[sflag:s14] =	ssyncadd.s32 $0xFFFF8000  }
0x6c: {  	[hbm4b:s5+s2] =	stream.linear.scatter [tilespmem:s2], [sflag:$0x3], $0x8000, $0x38;
	[tilespmem:$0x1C000] =	vst v63  }
0x6d: {  	_ = 	snop  }
0x6e: {  	[hbm4b:s6+s2] =	stream.linear.scatter [tilespmem:s2], [sflag:$0x3], $0x8000, $0x38;
	[tilespmem:$0x1C000] =	vst v63  }
0x6f: {  	_ = 	snop  }
0x70: {  	[hbm4b:s7+s2] =	stream.linear.scatter [tilespmem:s2], [sflag:$0x3], $0x8000, $0x38;
	[tilespmem:$0x1C000] =	vst v63  }
0x71: {  	_ = 	snop  }
0x72: {  	[hbm4b:s12+s2] =	stream.linear.scatter [tilespmem:s2], [sflag:$0x3], $0x8000, $0x38;
	[tilespmem:$0x1C000] =	vst v63  }
0x73: {  	_ =	swait.ge [sflag:s4], $0xE000  }
0x74: {  	[sflag:s4] =	ssyncset.done $0x0  }
0x75: {  	[sflag:s4] =	ssyncadd.s32 $0xFFFF2000  }
0x76: {  	_ =	swait.ge [sflag:s4], $0xE000  }
0x77: {  	[sflag:s4] =	ssyncset.done $0x0  }
0x78: {  	[sflag:s4] =	ssyncadd.s32 $0xFFFF2000  }
0x79: {  	_ =	swait.ge [sflag:s4], $0xE000  }
0x7a: {  	[sflag:s4] =	ssyncset.done $0x0  }
0x7b: {  	[sflag:s4] =	ssyncadd.s32 $0xFFFF2000  }
0x7c: {  	_ =	swait.ge [sflag:s4], $0xE000  }
0x7d: {  	[sflag:s4] =	ssyncset.done $0x0  }
0x7e: {  	[sflag:s4] =	ssyncadd.s32 $0xFFFF2000  }
0x7f: {  	_ =	swait.ge [sflag:s3], $0x8000  }
0x80: {  	[sflag:s3] =	ssyncset.done $0x0  }
0x81: {  	[sflag:s3] =	ssyncadd.s32 $0xFFFF8000  }
0x82: {  	_ =	swait.ge [sflag:s3], $0x8000  }
0x83: {  	[sflag:s3] =	ssyncset.done $0x0  }
0x84: {  	[sflag:s3] =	ssyncadd.s32 $0xFFFF8000  }
0x85: {  	_ =	swait.ge [sflag:s3], $0x8000  }
0x86: {  	s1 =	rddreg [dreg:$0x5]  }
0x87: {  	p1 =	sne.s32 s1, $0x1  }
.Ltmp1:
0x88: {  	_ = 	snop;
	(pc) =	sbr.rel @!p1 .LBB2_3-.Ltmp1, $4  }
0x89: {  	[sflag:s3] =	ssyncset.done $0x0  }
0x8a: {  	[sflag:s3] =	ssyncadd.s32 $0xFFFF8000  }
0x8b: {  	p0 =	por $0x1, $0x1;
	_ =	swait.ge [sflag:s3], $0x8000  }
0x8c: {  	s0 =	sadd.s32 $0xFFFFFFFF, s1;
	s1 =	rddreg [dreg:$0x3];
	[sflag:s3] =	ssyncset.done $0x0  }
.LBB2_2:
0x8d: {  	[sflag:s3] =	ssyncadd.s32 $0xFFFF8000  }
0x8e: {  	s20 =	smov.u32 s28;
	s28 =	smov.u32 s31;
	s31 =	smov.u32 s30  }
0x8f: {  	s30 =	smov.u32 s29;
	s29 =	smov.u32 s26;
	s26 =	smov.u32 s25  }
0x90: {  	s25 =	smov.u32 s24;
	s24 =	smov.u32 s23;
	s23 =	smov.u32 s22  }
0x91: {  	s22 =	smov.u32 s21;
	s21 =	smov.u32 s19;
	s19 =	smov.u32 s18  }
0x92: {  	s18 =	smov.u32 s17;
	s17 =	smov.u32 s16;
	s16 =	smov.u32 s13  }
0x93: {  	s13 =	smov.u32 s12;
	s12 =	smov.u32 s11;
	s11 =	smov.u32 s10  }
0x94: {  	s10 =	smov.u32 s9;
	s9 =	smov.u32 s8;
	s8 =	smov.u32 s7  }
0x95: {  	[tilespmem:s2], [sflag:$0x1] =	stream.linear.gather [hbm4b:s1+s2], $0xE000, $0x38;
	[tilespmem:$0x1C000] =	vst v63  }
0x96: {  	s7 =	smov.u32 s6;
	s6 =	smov.u32 s5;
	s5 =	rddreg [dreg:$0x4]  }
0x97: {  	[tilespmem:s15], [sflag:$0x2] =	stream.linear.gather [hbm4b:s5+s2], $0xE000, $0x38;
	[tilespmem:$0x1C000] =	vst v63  }
0x98: {  	s5 =	smov.u32 s6;
	s6 =	smov.u32 s7  }
0x99: {  	s7 =	smov.u32 s8;
	s8 =	smov.u32 s9;
	s9 =	smov.u32 s10  }
0x9a: {  	s10 =	smov.u32 s11;
	s11 =	smov.u32 s12;
	s12 =	smov.u32 s13  }
0x9b: {  	s13 =	smov.u32 s16;
	s16 =	smov.u32 s17;
	s17 =	smov.u32 s18  }
0x9c: {  	s18 =	smov.u32 s19;
	s19 =	smov.u32 s21;
	s21 =	smov.u32 s22  }
0x9d: {  	s22 =	smov.u32 s23;
	s23 =	smov.u32 s24;
	s24 =	smov.u32 s25  }
0x9e: {  	s25 =	smov.u32 s26;
	s26 =	smov.u32 s29;
	_ =	swait.ge [sflag:s14], $0xE000  }
0x9f: {  	s29 =	smov.u32 s30;
	s30 =	smov.u32 s31;
	[sflag:s14] =	ssyncset.done $0x0  }
0xa0: {  	s31 =	smov.u32 s28;
	s28 =	smov.u32 s20;
	[sflag:s14] =	ssyncadd.s32 $0xFFFF2000  }
0xa1: {  	[hbm4b:s28+s2] =	stream.linear.scatter [tilespmem:s2], [sflag:$0x3], $0xE000, $0x38;
	[tilespmem:$0x1C000] =	vst v63  }
0xa2: {  	_ = 	snop  }
0xa3: {  	[hbm4b:s29+s2] =	stream.linear.scatter [tilespmem:s2], [sflag:$0x3], $0xE000, $0x38;
	[tilespmem:$0x1C000] =	vst v63  }
0xa4: {  	_ = 	snop  }
0xa5: {  	[hbm4b:s30+s2] =	stream.linear.scatter [tilespmem:s2], [sflag:$0x3], $0xE000, $0x38;
	[tilespmem:$0x1C000] =	vst v63  }
0xa6: {  	_ = 	snop  }
0xa7: {  	[hbm4b:s31+s2] =	stream.linear.scatter [tilespmem:s2], [sflag:$0x3], $0xE000, $0x38;
	[tilespmem:$0x1C000] =	vst v63  }
0xa8: {  	_ =	swait.ge [sflag:s3], $0xE000  }
0xa9: {  	[sflag:s3] =	ssyncset.done $0x0  }
0xaa: {  	[sflag:s3] =	ssyncadd.s32 $0xFFFF2000  }
0xab: {  	_ =	swait.ge [sflag:s3], $0xE000  }
0xac: {  	[sflag:s3] =	ssyncset.done $0x0  }
0xad: {  	[sflag:s3] =	ssyncadd.s32 $0xFFFF2000  }
0xae: {  	_ =	swait.ge [sflag:s3], $0xE000  }
0xaf: {  	[sflag:s3] =	ssyncset.done $0x0  }
0xb0: {  	[sflag:s3] =	ssyncadd.s32 $0xFFFF2000  }
0xb1: {  	_ =	swait.ge [sflag:s3], $0xE000  }
0xb2: {  	[sflag:s3] =	ssyncset.done $0x0  }
0xb3: {  	s20 =	simm.s32 $0x2;
	[sflag:s3] =	ssyncadd.s32 $0xFFFF2000  }
0xb4: {  	[tilespmem:s2], [sflag:$0x1] =	stream.linear.gather [hbm4b:s26+s2], $0xE000, $0x38;
	[tilespmem:$0x1C000] =	vst v63  }
0xb5: {  	_ =	swait.ge [sflag:s20], $0xE000  }
0xb6: {  	[sflag:s20] =	ssyncset.done $0x0  }
0xb7: {  	[sflag:s20] =	ssyncadd.s32 $0xFFFF2000  }
0xb8: {  	[hbm4b:s22+s2] =	stream.linear.scatter [tilespmem:s15], [sflag:$0x4], $0xE000, $0x38;
	[tilespmem:$0x1C000] =	vst v63  }
0xb9: {  	_ = 	snop  }
0xba: {  	[hbm4b:s23+s2] =	stream.linear.scatter [tilespmem:s15], [sflag:$0x4], $0xE000, $0x38;
	[tilespmem:$0x1C000] =	vst v63  }
0xbb: {  	_ = 	snop  }
0xbc: {  	[hbm4b:s24+s2] =	stream.linear.scatter [tilespmem:s15], [sflag:$0x4], $0xE000, $0x38;
	[tilespmem:$0x1C000] =	vst v63  }
0xbd: {  	_ = 	snop  }
0xbe: {  	[hbm4b:s25+s2] =	stream.linear.scatter [tilespmem:s15], [sflag:$0x4], $0xE000, $0x38;
	[tilespmem:$0x1C000] =	vst v63  }
0xbf: {  	_ =	swait.ge [sflag:s4], $0xE000  }
0xc0: {  	[sflag:s4] =	ssyncset.done $0x0  }
0xc1: {  	[sflag:s4] =	ssyncadd.s32 $0xFFFF2000  }
0xc2: {  	_ =	swait.ge [sflag:s4], $0xE000  }
0xc3: {  	[sflag:s4] =	ssyncset.done $0x0  }
0xc4: {  	[sflag:s4] =	ssyncadd.s32 $0xFFFF2000  }
0xc5: {  	_ =	swait.ge [sflag:s4], $0xE000  }
0xc6: {  	[sflag:s4] =	ssyncset.done $0x0  }
0xc7: {  	[sflag:s4] =	ssyncadd.s32 $0xFFFF2000  }
0xc8: {  	_ =	swait.ge [sflag:s4], $0xE000  }
0xc9: {  	[sflag:s4] =	ssyncset.done $0x0  }
0xca: {  	[sflag:s4] =	ssyncadd.s32 $0xFFFF2000  }
0xcb: {  	[tilespmem:s15], [sflag:$0x2] =	stream.linear.gather [hbm4b:s21+s2], $0xE000, $0x38;
	[tilespmem:$0x1C000] =	vst v63  }
0xcc: {  	_ =	swait.ge [sflag:s14], $0xE000  }
0xcd: {  	[sflag:s14] =	ssyncset.done $0x0  }
0xce: {  	[sflag:s14] =	ssyncadd.s32 $0xFFFF2000  }
0xcf: {  	[hbm4b:s16+s2] =	stream.linear.scatter [tilespmem:s2], [sflag:$0x3], $0xE000, $0x38;
	[tilespmem:$0x1C000] =	vst v63  }
0xd0: {  	_ = 	snop  }
0xd1: {  	[hbm4b:s17+s2] =	stream.linear.scatter [tilespmem:s2], [sflag:$0x3], $0xE000, $0x38;
	[tilespmem:$0x1C000] =	vst v63  }
0xd2: {  	_ = 	snop  }
0xd3: {  	[hbm4b:s18+s2] =	stream.linear.scatter [tilespmem:s2], [sflag:$0x3], $0xE000, $0x38;
	[tilespmem:$0x1C000] =	vst v63  }
0xd4: {  	_ = 	snop  }
0xd5: {  	[hbm4b:s19+s2] =	stream.linear.scatter [tilespmem:s2], [sflag:$0x3], $0xE000, $0x38;
	[tilespmem:$0x1C000] =	vst v63  }
0xd6: {  	_ =	swait.ge [sflag:s3], $0xE000  }
0xd7: {  	[sflag:s3] =	ssyncset.done $0x0  }
0xd8: {  	[sflag:s3] =	ssyncadd.s32 $0xFFFF2000  }
0xd9: {  	_ =	swait.ge [sflag:s3], $0xE000  }
0xda: {  	[sflag:s3] =	ssyncset.done $0x0  }
0xdb: {  	[sflag:s3] =	ssyncadd.s32 $0xFFFF2000  }
0xdc: {  	_ =	swait.ge [sflag:s3], $0xE000  }
0xdd: {  	[sflag:s3] =	ssyncset.done $0x0  }
0xde: {  	[sflag:s3] =	ssyncadd.s32 $0xFFFF2000  }
0xdf: {  	_ =	swait.ge [sflag:s3], $0xE000  }
0xe0: {  	[sflag:s3] =	ssyncset.done $0x0  }
0xe1: {  	[sflag:s3] =	ssyncadd.s32 $0xFFFF2000  }
0xe2: {  	[tilespmem:s2], [sflag:$0x1] =	stream.linear.gather [hbm4b:s13+s2], $0x8000, $0x38;
	[tilespmem:$0x1C000] =	vst v63  }
0xe3: {  	_ =	swait.ge [sflag:s20], $0xE000  }
0xe4: {  	[sflag:s20] =	ssyncset.done $0x0  }
0xe5: {  	[sflag:s20] =	ssyncadd.s32 $0xFFFF2000  }
0xe6: {  	[hbm4b:s8+s2] =	stream.linear.scatter [tilespmem:s15], [sflag:$0x4], $0xE000, $0x38;
	[tilespmem:$0x1C000] =	vst v63  }
0xe7: {  	_ = 	snop  }
0xe8: {  	[hbm4b:s9+s2] =	stream.linear.scatter [tilespmem:s15], [sflag:$0x4], $0xE000, $0x38;
	[tilespmem:$0x1C000] =	vst v63  }
0xe9: {  	_ = 	snop  }
0xea: {  	[hbm4b:s10+s2] =	stream.linear.scatter [tilespmem:s15], [sflag:$0x4], $0xE000, $0x38;
	[tilespmem:$0x1C000] =	vst v63  }
0xeb: {  	_ = 	snop  }
0xec: {  	[hbm4b:s11+s2] =	stream.linear.scatter [tilespmem:s15], [sflag:$0x4], $0xE000, $0x38;
	[tilespmem:$0x1C000] =	vst v63  }
0xed: {  	_ =	swait.ge [sflag:s14], $0x8000  }
0xee: {  	[sflag:s14] =	ssyncset.done $0x0  }
0xef: {  	[sflag:s14] =	ssyncadd.s32 $0xFFFF8000  }
0xf0: {  	[hbm4b:s5+s2] =	stream.linear.scatter [tilespmem:s2], [sflag:$0x3], $0x8000, $0x38;
	[tilespmem:$0x1C000] =	vst v63  }
0xf1: {  	_ = 	snop  }
0xf2: {  	[hbm4b:s6+s2] =	stream.linear.scatter [tilespmem:s2], [sflag:$0x3], $0x8000, $0x38;
	[tilespmem:$0x1C000] =	vst v63  }
0xf3: {  	_ = 	snop  }
0xf4: {  	[hbm4b:s7+s2] =	stream.linear.scatter [tilespmem:s2], [sflag:$0x3], $0x8000, $0x38;
	[tilespmem:$0x1C000] =	vst v63  }
0xf5: {  	_ = 	snop  }
0xf6: {  	[hbm4b:s12+s2] =	stream.linear.scatter [tilespmem:s2], [sflag:$0x3], $0x8000, $0x38;
	[tilespmem:$0x1C000] =	vst v63  }
0xf7: {  	_ =	swait.ge [sflag:s4], $0xE000  }
0xf8: {  	[sflag:s4] =	ssyncset.done $0x0  }
0xf9: {  	[sflag:s4] =	ssyncadd.s32 $0xFFFF2000  }
0xfa: {  	_ =	swait.ge [sflag:s4], $0xE000  }
0xfb: {  	[sflag:s4] =	ssyncset.done $0x0  }
0xfc: {  	[sflag:s4] =	ssyncadd.s32 $0xFFFF2000  }
0xfd: {  	_ =	swait.ge [sflag:s4], $0xE000  }
0xfe: {  	[sflag:s4] =	ssyncset.done $0x0  }
0xff: {  	[sflag:s4] =	ssyncadd.s32 $0xFFFF2000  }
0x100: {  	_ =	swait.ge [sflag:s4], $0xE000  }
0x101: {  	[sflag:s4] =	ssyncset.done $0x0  }
0x102: {  	[sflag:s4] =	ssyncadd.s32 $0xFFFF2000  }
0x103: {  	_ =	swait.ge [sflag:s3], $0x8000  }
0x104: {  	[sflag:s3] =	ssyncset.done $0x0  }
0x105: {  	[sflag:s3] =	ssyncadd.s32 $0xFFFF8000  }
0x106: {  	_ =	swait.ge [sflag:s3], $0x8000  }
0x107: {  	[sflag:s3] =	ssyncset.done $0x0  }
0x108: {  	p1 =	sne.s32 s0, $0x1;
	[sflag:s3] =	ssyncadd.s32 $0xFFFF8000  }
.Ltmp2:
0x109: {  	_ =	swait.ge [sflag:s3], $0x8000;
	(pc) =	sbr.rel @p1 .LBB2_2-.Ltmp2, $4  }
0x10a: {  	[sflag:s3] =	ssyncset.done $0x0  }
0x10b: {  	[sflag:s3] =	ssyncadd.s32 $0xFFFF8000  }
0x10c: {  	_ =	swait.ge [sflag:s3], $0x8000  }
0x10d: {  	s0 =	sadd.s32 $0xFFFFFFFF, s0;
	s1 =	rddreg [dreg:$0x3];
	[sflag:s3] =	ssyncset.done $0x0  }
.LBB2_3:
0x10e: {  	[sflag:s3] =	ssyncadd.s32 @p0 $0xFFFF8000  }
0x10f: {  	[tilespmem:s2], [sflag:$0x1] =	stream.linear.gather [hbm4b:s1+s2], $0xE000, $0x38;
	[tilespmem:$0x1C000] =	vst v63  }
0x110: {  	s0 =	rddreg [dreg:$0x4]  }
0x111: {  	[tilespmem:s15], [sflag:$0x2] =	stream.linear.gather [hbm4b:s0+s2], $0xE000, $0x38;
	[tilespmem:$0x1C000] =	vst v63  }
0x112: {  	_ =	swait.ge [sflag:s14], $0xE000  }
0x113: {  	[sflag:s14] =	ssyncset.done $0x0  }
0x114: {  	[sflag:s14] =	ssyncadd.s32 $0xFFFF2000  }
0x115: {  	[hbm4b:s28+s2] =	stream.linear.scatter [tilespmem:s2], [sflag:$0x3], $0xE000, $0x38;
	[tilespmem:$0x1C000] =	vst v63  }
0x116: {  	_ = 	snop  }
0x117: {  	[hbm4b:s29+s2] =	stream.linear.scatter [tilespmem:s2], [sflag:$0x3], $0xE000, $0x38;
	[tilespmem:$0x1C000] =	vst v63  }
0x118: {  	_ = 	snop  }
0x119: {  	[hbm4b:s30+s2] =	stream.linear.scatter [tilespmem:s2], [sflag:$0x3], $0xE000, $0x38;
	[tilespmem:$0x1C000] =	vst v63  }
0x11a: {  	_ = 	snop  }
0x11b: {  	[hbm4b:s31+s2] =	stream.linear.scatter [tilespmem:s2], [sflag:$0x3], $0xE000, $0x38;
	[tilespmem:$0x1C000] =	vst v63  }
0x11c: {  	_ =	swait.ge [sflag:s3], $0xE000  }
0x11d: {  	[sflag:s3] =	ssyncset.done $0x0  }
0x11e: {  	[sflag:s3] =	ssyncadd.s32 $0xFFFF2000  }
0x11f: {  	_ =	swait.ge [sflag:s3], $0xE000  }
0x120: {  	[sflag:s3] =	ssyncset.done $0x0  }
0x121: {  	[sflag:s3] =	ssyncadd.s32 $0xFFFF2000  }
0x122: {  	_ =	swait.ge [sflag:s3], $0xE000  }
0x123: {  	[sflag:s3] =	ssyncset.done $0x0  }
0x124: {  	[sflag:s3] =	ssyncadd.s32 $0xFFFF2000  }
0x125: {  	_ =	swait.ge [sflag:s3], $0xE000  }
0x126: {  	[sflag:s3] =	ssyncset.done $0x0  }
0x127: {  	[sflag:s3] =	ssyncadd.s32 $0xFFFF2000  }
0x128: {  	[tilespmem:s2], [sflag:$0x1] =	stream.linear.gather [hbm4b:s26+s2], $0xE000, $0x38;
	[tilespmem:$0x1C000] =	vst v63  }
0x129: {  	_ =	swait.ge [sflag:s20], $0xE000  }
0x12a: {  	[sflag:s20] =	ssyncset.done $0x0  }
0x12b: {  	[sflag:s20] =	ssyncadd.s32 $0xFFFF2000  }
0x12c: {  	[hbm4b:s22+s2] =	stream.linear.scatter [tilespmem:s15], [sflag:$0x4], $0xE000, $0x38;
	[tilespmem:$0x1C000] =	vst v63  }
0x12d: {  	_ = 	snop  }
0x12e: {  	[hbm4b:s23+s2] =	stream.linear.scatter [tilespmem:s15], [sflag:$0x4], $0xE000, $0x38;
	[tilespmem:$0x1C000] =	vst v63  }
0x12f: {  	_ = 	snop  }
0x130: {  	[hbm4b:s24+s2] =	stream.linear.scatter [tilespmem:s15], [sflag:$0x4], $0xE000, $0x38;
	[tilespmem:$0x1C000] =	vst v63  }
0x131: {  	_ = 	snop  }
0x132: {  	[hbm4b:s25+s2] =	stream.linear.scatter [tilespmem:s15], [sflag:$0x4], $0xE000, $0x38;
	[tilespmem:$0x1C000] =	vst v63  }
0x133: {  	_ =	swait.ge [sflag:s4], $0xE000  }
0x134: {  	[sflag:s4] =	ssyncset.done $0x0  }
0x135: {  	[sflag:s4] =	ssyncadd.s32 $0xFFFF2000  }
0x136: {  	_ =	swait.ge [sflag:s4], $0xE000  }
0x137: {  	[sflag:s4] =	ssyncset.done $0x0  }
0x138: {  	[sflag:s4] =	ssyncadd.s32 $0xFFFF2000  }
0x139: {  	_ =	swait.ge [sflag:s4], $0xE000  }
0x13a: {  	[sflag:s4] =	ssyncset.done $0x0  }
0x13b: {  	[sflag:s4] =	ssyncadd.s32 $0xFFFF2000  }
0x13c: {  	_ =	swait.ge [sflag:s4], $0xE000  }
0x13d: {  	[sflag:s4] =	ssyncset.done $0x0  }
0x13e: {  	[sflag:s4] =	ssyncadd.s32 $0xFFFF2000  }
0x13f: {  	[tilespmem:s15], [sflag:$0x2] =	stream.linear.gather [hbm4b:s21+s2], $0xE000, $0x38;
	[tilespmem:$0x1C000] =	vst v63  }
0x140: {  	_ =	swait.ge [sflag:s14], $0xE000  }
0x141: {  	[sflag:s14] =	ssyncset.done $0x0  }
0x142: {  	[sflag:s14] =	ssyncadd.s32 $0xFFFF2000  }
0x143: {  	[hbm4b:s16+s2] =	stream.linear.scatter [tilespmem:s2], [sflag:$0x3], $0xE000, $0x38;
	[tilespmem:$0x1C000] =	vst v63  }
0x144: {  	_ = 	snop  }
0x145: {  	[hbm4b:s17+s2] =	stream.linear.scatter [tilespmem:s2], [sflag:$0x3], $0xE000, $0x38;
	[tilespmem:$0x1C000] =	vst v63  }
0x146: {  	_ = 	snop  }
0x147: {  	[hbm4b:s18+s2] =	stream.linear.scatter [tilespmem:s2], [sflag:$0x3], $0xE000, $0x38;
	[tilespmem:$0x1C000] =	vst v63  }
0x148: {  	_ = 	snop  }
0x149: {  	[hbm4b:s19+s2] =	stream.linear.scatter [tilespmem:s2], [sflag:$0x3], $0xE000, $0x38;
	[tilespmem:$0x1C000] =	vst v63  }
0x14a: {  	_ =	swait.ge [sflag:s3], $0xE000  }
0x14b: {  	[sflag:s3] =	ssyncset.done $0x0  }
0x14c: {  	[sflag:s3] =	ssyncadd.s32 $0xFFFF2000  }
0x14d: {  	_ =	swait.ge [sflag:s3], $0xE000  }
0x14e: {  	[sflag:s3] =	ssyncset.done $0x0  }
0x14f: {  	[sflag:s3] =	ssyncadd.s32 $0xFFFF2000  }
0x150: {  	_ =	swait.ge [sflag:s3], $0xE000  }
0x151: {  	[sflag:s3] =	ssyncset.done $0x0  }
0x152: {  	[sflag:s3] =	ssyncadd.s32 $0xFFFF2000  }
0x153: {  	_ =	swait.ge [sflag:s3], $0xE000  }
0x154: {  	[sflag:s3] =	ssyncset.done $0x0  }
0x155: {  	[sflag:s3] =	ssyncadd.s32 $0xFFFF2000  }
0x156: {  	[tilespmem:s2], [sflag:$0x1] =	stream.linear.gather [hbm4b:s13+s2], $0x8000, $0x38;
	[tilespmem:$0x1C000] =	vst v63  }
0x157: {  	_ =	swait.ge [sflag:s20], $0xE000  }
0x158: {  	[sflag:s20] =	ssyncset.done $0x0  }
0x159: {  	[sflag:s20] =	ssyncadd.s32 $0xFFFF2000  }
0x15a: {  	[hbm4b:s8+s2] =	stream.linear.scatter [tilespmem:s15], [sflag:$0x4], $0xE000, $0x38;
	[tilespmem:$0x1C000] =	vst v63  }
0x15b: {  	_ = 	snop  }
0x15c: {  	[hbm4b:s9+s2] =	stream.linear.scatter [tilespmem:s15], [sflag:$0x4], $0xE000, $0x38;
	[tilespmem:$0x1C000] =	vst v63  }
0x15d: {  	_ = 	snop  }
0x15e: {  	[hbm4b:s10+s2] =	stream.linear.scatter [tilespmem:s15], [sflag:$0x4], $0xE000, $0x38;
	[tilespmem:$0x1C000] =	vst v63  }
0x15f: {  	_ = 	snop  }
0x160: {  	[hbm4b:s11+s2] =	stream.linear.scatter [tilespmem:s15], [sflag:$0x4], $0xE000, $0x38;
	[tilespmem:$0x1C000] =	vst v63  }
0x161: {  	_ =	swait.ge [sflag:s14], $0x8000  }
0x162: {  	[sflag:s14] =	ssyncset.done $0x0  }
0x163: {  	[sflag:s14] =	ssyncadd.s32 $0xFFFF8000  }
0x164: {  	[hbm4b:s5+s2] =	stream.linear.scatter [tilespmem:s2], [sflag:$0x3], $0x8000, $0x38;
	[tilespmem:$0x1C000] =	vst v63  }
0x165: {  	_ = 	snop  }
0x166: {  	[hbm4b:s6+s2] =	stream.linear.scatter [tilespmem:s2], [sflag:$0x3], $0x8000, $0x38;
	[tilespmem:$0x1C000] =	vst v63  }
0x167: {  	_ = 	snop  }
0x168: {  	[hbm4b:s7+s2] =	stream.linear.scatter [tilespmem:s2], [sflag:$0x3], $0x8000, $0x38;
	[tilespmem:$0x1C000] =	vst v63  }
0x169: {  	_ = 	snop  }
0x16a: {  	[hbm4b:s12+s2] =	stream.linear.scatter [tilespmem:s2], [sflag:$0x3], $0x8000, $0x38;
	[tilespmem:$0x1C000] =	vst v63  }
0x16b: {  	_ =	swait.ge [sflag:s4], $0xE000  }
0x16c: {  	[sflag:s4] =	ssyncset.done $0x0  }
0x16d: {  	[sflag:s4] =	ssyncadd.s32 $0xFFFF2000  }
0x16e: {  	_ =	swait.ge [sflag:s4], $0xE000  }
0x16f: {  	[sflag:s4] =	ssyncset.done $0x0  }
0x170: {  	[sflag:s4] =	ssyncadd.s32 $0xFFFF2000  }
0x171: {  	_ =	swait.ge [sflag:s4], $0xE000  }
0x172: {  	[sflag:s4] =	ssyncset.done $0x0  }
0x173: {  	[sflag:s4] =	ssyncadd.s32 $0xFFFF2000  }
0x174: {  	_ =	swait.ge [sflag:s4], $0xE000  }
0x175: {  	[sflag:s4] =	ssyncset.done $0x0  }
0x176: {  	[sflag:s4] =	ssyncadd.s32 $0xFFFF2000  }
0x177: {  	_ =	swait.ge [sflag:s3], $0x8000  }
0x178: {  	[sflag:s3] =	ssyncset.done $0x0  }
0x179: {  	[sflag:s3] =	ssyncadd.s32 $0xFFFF8000  }
0x17a: {  	_ =	swait.ge [sflag:s3], $0x8000  }
0x17b: {  	[sflag:s3] =	ssyncset.done $0x0  }
0x17c: {  	[sflag:s3] =	ssyncadd.s32 $0xFFFF8000  }
0x17d: {  	_ =	swait.ge [sflag:s3], $0x8000  }
0x17e: {  	[sflag:s3] =	ssyncset.done $0x0  }
0x17f: {  	[sflag:s3] =	ssyncadd.s32 $0xFFFF8000  }
0x180: {  	_ =	swait.ge [sflag:s3], $0x8000  }
0x181: {  	[sflag:s3] =	ssyncset.done $0x0  }
0x182: {  	[sflag:s3] =	ssyncadd.s32 $0xFFFF8000  }
0x183: {  	_ =	sfence.sel $0x180000  }
0x184: {  	[bflag:$0x0] =	sbarrier.arrive $0xFFFF  }
0x185: {  	_ =	strace $0x90000047  }
0x186: {  	s31 =	stileid.u32;
	[bflag:$0x2] =	sbarrier.arrive $0xFFFF  }
0x187: {  	p0 =	sne.s32 s31, $0x0;
	s0 =	rddreg [dreg:$0x2]  }
0x188: {  	s0 =	sadd.s32 @!p0 $0x100000, s0  }
0x189: {  	[sflag:s0] =	ssyncadd.tile.s32 @!p0 $0x1;
	_ =	shalt  }
.Lfunc_end2:
_tile_overlayer_lowered:
.L_overlay_start_2:
0x18a: {  	(tag) =	ssettag $0x2  }
0x18b: {  	s0 =	rddreg [dreg:$0x0];
	s2 =	stileid.u32  }
0x18c: {  	s1 =	rddreg [dreg:$0x1];
	p0 =	sne.s32 s2, $0x0  }
0x18d: {  	s3 =	rddreg [dreg:$0x2];
	[bflag:$0x3] =	sbarrier.arrive $0xFFFF;
	s2 =	simm.s32 @!p0 $0x1C05  }
0x18e: {  	[timem:s3], [sflag:s2] =	dma.local @!p0 [hbm:s0], s1  }
0x18f: {  	s0 =	simm.s32 @!p0 $0x5  }
0x190: {  	_ =	swait.ge @!p0 [sflag:s0], s1  }
0x191: {  	s1 =	ssub.s32 @!p0 $0x0, s1;
	[sflag:s0] =	ssyncset.done @!p0 $0x0  }
0x192: {  	[sflag:s0] =	ssyncadd.s32 @!p0 s1  }
0x193: {  	[bflag:$0x3] =	sbarrier.arrive $0xFFFF  }
0x194: {  	_ =	shalt  }

</sc_bundles>
